<compile_context>
chip_gen: v7x
topology: tpu7x:2x2x1
jax: 0.10.2.dev20260603
libtpu: 0.0.44.dev20260713+nightly
codegen_flags: <defaults>
</compile_context>

<pallas_src>
import functools
import math

import numpy as np
import jax
import jax.numpy as jnp
from jax import lax
from jax.experimental import pallas as pl
from jax.experimental.pallas import tpu as pltpu
from jax.experimental.pallas import tpu_sc as plsc

NC = 2
NS = 16
NW = NC * NS
LANES = 16
BLK = 8192


def _sc_coulomb(n_pairs, nb):

    mesh = plsc.VectorSubcoreMesh(core_axis_name="c", subcore_axis_name="s")

    @functools.partial(
        pl.kernel,
        out_type=jax.ShapeDtypeStruct((NW, LANES), jnp.float32),
        mesh=mesh,
        scratch_types=[
            pltpu.VMEM((BLK,), jnp.int32),
            pltpu.VMEM((BLK,), jnp.int32),
            pltpu.VMEM((BLK,), jnp.float32),
            pltpu.VMEM((BLK,), jnp.float32),
            pltpu.VMEM((BLK,), jnp.float32),
            pltpu.VMEM((BLK,), jnp.float32),
            pltpu.VMEM((BLK,), jnp.float32),
            pltpu.VMEM((BLK,), jnp.float32),
            pltpu.VMEM((BLK,), jnp.float32),
            pltpu.VMEM((BLK,), jnp.float32),
            pltpu.VMEM((32,), jnp.float32),
            pltpu.VMEM((LANES,), jnp.float32),
            pltpu.SemaphoreType.DMA,
        ],
    )
    def kern(tx_hbm, ty_hbm, tz_hbm, tq_hbm, pi_hbm, pj_hbm, par_hbm,
             out_hbm, idxi, idxj, bxi, byi, bzi, bqi, bxj, byj, bzj, bqj,
             par_v, accv, sem):
        cid = lax.axis_index("c")
        sid = lax.axis_index("s")
        wid = sid * NC + cid

        pltpu.sync_copy(par_hbm, par_v)
        va = par_v[pl.ds(0, LANES)]
        vb = par_v[pl.ds(LANES, LANES)]
        b00, b01, b02 = va[0], va[1], va[2]
        b10, b11, b12 = va[3], va[4], va[5]
        b20, b21, b22 = va[6], va[7], va[8]
        i00, i01, i02 = va[9], va[10], va[11]
        i10, i11, i12 = va[12], va[13], va[14]
        i20, i21, i22 = va[15], vb[0], vb[1]
        cut2, inv_cut = vb[2], vb[3]

        iota = lax.broadcasted_iota(jnp.int32, (LANES,), 0)
        wbase = wid * (nb * BLK)
        bmask = jnp.int32(np.int32(np.uint32(0xFFFF0000)))

        def bq(v):
            b = lax.bitcast_convert_type(v, jnp.int32)
            b = b + 0x7FFF + (lax.shift_right_logical(b, 16) & 1)
            b = b & bmask
            return lax.bitcast_convert_type(b, jnp.float32)

        def block_body(g, acc):
            base = wbase + g * BLK
            pltpu.sync_copy(pi_hbm.at[pl.ds(base, BLK)], idxi)
            pltpu.sync_copy(pj_hbm.at[pl.ds(base, BLK)], idxj)
            cps = [
                pltpu.async_copy(tx_hbm.at[idxi], bxi, sem),
                pltpu.async_copy(ty_hbm.at[idxi], byi, sem),
                pltpu.async_copy(tz_hbm.at[idxi], bzi, sem),
                pltpu.async_copy(tq_hbm.at[idxi], bqi, sem),
                pltpu.async_copy(tx_hbm.at[idxj], bxj, sem),
                pltpu.async_copy(ty_hbm.at[idxj], byj, sem),
                pltpu.async_copy(tz_hbm.at[idxj], bzj, sem),
                pltpu.async_copy(tq_hbm.at[idxj], bqj, sem),
            ]
            for cp in cps:
                cp.wait()

            def group_body(g2, acc2):
                off = pl.ds(g2 * LANES, LANES)
                xi, yi, zi, qi = bxi[off], byi[off], bzi[off], bqi[off]
                xj, yj, zj, qj = bxj[off], byj[off], bzj[off], bqj[off]

                dx = bq(xi - xj)
                dy = bq(yi - yj)
                dz = bq(zi - zj)
                s0 = dx * i00 + dy * i10 + dz * i20
                s1 = dx * i01 + dy * i11 + dz * i21
                s2 = dx * i02 + dy * i12 + dz * i22

                def wrap(s):
                    u = s + 0.5
                    t = u.astype(jnp.int32).astype(jnp.float32)
                    fl = jnp.where(t > u, t - 1.0, t)
                    return s - fl

                s0 = bq(wrap(s0))
                s1 = bq(wrap(s1))
                s2 = bq(wrap(s2))

                e0 = s0 * b00 + s1 * b10 + s2 * b20
                e1 = s0 * b01 + s1 * b11 + s2 * b21
                e2 = s0 * b02 + s1 * b12 + s2 * b22
                r2 = e0 * e0 + e1 * e1 + e2 * e2

                ibits = lax.bitcast_convert_type(r2, jnp.int32)
                seed = jnp.int32(0x5F3759DF) - lax.shift_right_logical(
                    ibits, jnp.int32(1))
                y = lax.bitcast_convert_type(seed, jnp.float32)
                xh = 0.5 * r2
                y = y * (1.5 - xh * y * y)
                y = y * (1.5 - xh * y * y)
                y = y * (1.5 - xh * y * y)

                ene = (qi * qj) * (y - inv_cut)
                gidx = base + g2 * LANES + iota
                keep = jnp.logical_and(r2 <= cut2, gidx < n_pairs)
                return acc2 + jnp.where(keep, ene, 0.0)

            return lax.fori_loop(0, BLK // LANES, group_body, acc)

        acc = lax.fori_loop(0, nb, block_body,
                            jnp.zeros((LANES,), jnp.float32))
        accv[...] = acc
        pltpu.sync_copy(accv, out_hbm.at[wid])

    return kern


def kernel(coords, pairs, box, charges, coulomb_constant, cutoff):
    m = pairs.shape[0]
    nb = math.ceil(m / (NW * BLK))
    m_pad = NW * nb * BLK

    tx = coords[:, 0].astype(jnp.float32)
    ty = coords[:, 1].astype(jnp.float32)
    tz = coords[:, 2].astype(jnp.float32)
    tq = charges.astype(jnp.float32)
    pi = pairs[:, 0].astype(jnp.int32)
    pj = pairs[:, 1].astype(jnp.int32)
    pad = m_pad - m
    pi = jnp.concatenate([pi, jnp.zeros((pad,), jnp.int32)])
    pj = jnp.concatenate([pj, jnp.zeros((pad,), jnp.int32)])

    binv = jnp.linalg.inv(box)
    box_q = box.astype(jnp.bfloat16).astype(jnp.float32)
    binv_q = binv.astype(jnp.bfloat16).astype(jnp.float32)
    cutf = jnp.asarray(cutoff, jnp.float32)
    params = jnp.concatenate(
        [box_q.reshape(-1), binv_q.reshape(-1),
         jnp.stack([cutf * cutf, 1.0 / cutf]),
         jnp.zeros((12,), jnp.float32)]).astype(jnp.float32)

    part = _sc_coulomb(m, nb)(tx, ty, tz, tq, pi, pj, params)
    return jnp.sum(part) * coulomb_constant

# --- scband reference (transcript-rebuilt; emitter-appended) ---
"""Pipeline reference for scband-coulomb-24610162606257 (READ-ONLY COPY).

The authoritative reference and input builder live on the scoring server;
editing this copy changes nothing except your own understanding.
"""

import jax, jax.numpy as jnp
import numpy as np

N_NODES = 100000
N_PAIRS = 6400000

def setup_inputs(seed: int = 0) -> dict:
    key = jax.random.key(seed)
    k1, k2, k3, k4, k5 = jax.random.split(key, 5)
    coords = jax.random.normal(k1, (N_NODES, 3), dtype=jnp.float32)
    # pairs: avoid self-pairs (i == j) which would produce dr = 0 and inf energy
    pi = jax.random.randint(k2, (N_PAIRS,), 0, N_NODES)
    off = jax.random.randint(k3, (N_PAIRS,), 1, N_NODES)
    pj = (pi + off) % N_NODES
    pairs = jnp.stack([pi, pj], axis=1).astype(jnp.int64)
    box = jax.random.normal(k4, (3, 3), dtype=jnp.float32)
    charges = jax.random.normal(k5, (N_NODES,), dtype=jnp.float32)
    return {
        "coords": coords,
        "pairs": pairs,
        "box": box,
        "charges": charges,
        "coulomb_constant": 1,
        "cutoff": 10,
    }

def reference(coords, pairs, box, charges, coulomb_constant, cutoff):
    # Faithful translation of compute_coulomb_energy_ref (do_shift=True default)
    i = pairs[:, 0]
    j = pairs[:, 1]
    dr_vecs = coords[i] - coords[j]
    box_inv = jnp.linalg.inv(box)
    ds_vecs = jnp.matmul(dr_vecs, box_inv)
    ds_vecs_pbc = ds_vecs - jnp.floor(ds_vecs + 0.5)
    dr_vecs_pbc = jnp.matmul(ds_vecs_pbc, box)
    dr = jnp.linalg.norm(dr_vecs_pbc, axis=1)
    mask = (dr <= cutoff).astype(coords.dtype)
    rinv = 1.0 / dr
    rinv = rinv - 1.0 / cutoff  # do_shift=True
    ene = charges[i] * charges[j] * rinv
    return jnp.sum(ene * mask) * coulomb_constant

if __name__ == "__main__":
    import jax
    _d = setup_inputs()
    print(jax.jit(kernel)(*tuple(_d.values())))

</pallas_src>

<mosaic_0001>
#map = affine_map<(d0, d1) -> (0)>
#map1 = affine_map<(d0, d1) -> (0, 0)>
module attributes {stable_mosaic.version = 14 : i64} {
  func.func @kern(%arg0: i32, %arg1: i32, %arg2: memref<100000xf32, #tpu.memory_space<hbm>>, %arg3: memref<100000xf32, #tpu.memory_space<hbm>>, %arg4: memref<100000xf32, #tpu.memory_space<hbm>>, %arg5: memref<100000xf32, #tpu.memory_space<hbm>>, %arg6: memref<6553600xi32, #tpu.memory_space<hbm>>, %arg7: memref<6553600xi32, #tpu.memory_space<hbm>>, %arg8: memref<32xf32, #tpu.memory_space<hbm>>, %arg9: memref<32x16xf32, #tpu.memory_space<hbm>>, %arg10: memref<8192xi32, #tpu.memory_space<vmem>>, %arg11: memref<8192xi32, #tpu.memory_space<vmem>>, %arg12: memref<8192xf32, #tpu.memory_space<vmem>>, %arg13: memref<8192xf32, #tpu.memory_space<vmem>>, %arg14: memref<8192xf32, #tpu.memory_space<vmem>>, %arg15: memref<8192xf32, #tpu.memory_space<vmem>>, %arg16: memref<8192xf32, #tpu.memory_space<vmem>>, %arg17: memref<8192xf32, #tpu.memory_space<vmem>>, %arg18: memref<8192xf32, #tpu.memory_space<vmem>>, %arg19: memref<8192xf32, #tpu.memory_space<vmem>>, %arg20: memref<32xf32, #tpu.memory_space<vmem>>, %arg21: memref<16xf32, #tpu.memory_space<vmem>>, %arg22: memref<!tpu.dma_semaphore, #tpu.memory_space<semaphore_mem>>) attributes {dimension_semantics = [#tpu.dimension_semantics<core_parallel>, #tpu.dimension_semantics<subcore_parallel>], iteration_bounds = array<i64: 2, 16>, scalar_prefetch = 0 : i64, scratch_operands = 13 : i64, tpu.core_type = #tpu.core_type<sc_vector_subcore>, window_params = [{transform_indices = #map}, {transform_indices = #map}, {transform_indices = #map}, {transform_indices = #map}, {transform_indices = #map}, {transform_indices = #map}, {transform_indices = #map}, {transform_indices = #map1}]} {
    %mul3A = arith.constant 2 : i32
    %mul3A_0 = arith.muli %arg1, %mul3A : i32
    %add3A = arith.addi %mul3A_0, %arg0 : i32
    "tpu.region"() ({
      %run_scoped3A = tpu.sem_alloc : memref<!tpu.dma_semaphore, #tpu.memory_space<semaphore_mem>>
      tpu.enqueue_dma source(%arg8 : memref<32xf32, #tpu.memory_space<hbm>>) target(%arg20 : memref<32xf32, #tpu.memory_space<vmem>>) target_semaphore(%run_scoped3A : memref<!tpu.dma_semaphore, #tpu.memory_space<semaphore_mem>>)
      tpu.wait_dma2 semaphore(%run_scoped3A : memref<!tpu.dma_semaphore, #tpu.memory_space<semaphore_mem>>) src(%arg8 : memref<32xf32, #tpu.memory_space<hbm>>) dst(%arg20 : memref<32xf32, #tpu.memory_space<vmem>>)
      tpu.yield
    }) : () -> ()
    %get3A = arith.constant 0 : index
    %get3A_1 = tpu.vector_load %arg20[%get3A] {strides = array<i32>} : memref<32xf32, #tpu.memory_space<vmem>>, vector<16xf32>,
    %get3A_2 = vector.shape_cast %get3A_1 : vector<16xf32> to vector<16xf32>
    %get3A_3 = arith.constant 16 : index
    %get3A_4 = tpu.vector_load %arg20[%get3A_3] {strides = array<i32>} : memref<32xf32, #tpu.memory_space<vmem>>, vector<16xf32>,
    %get3A_5 = vector.shape_cast %get3A_4 : vector<16xf32> to vector<16xf32>
    %slice3A = vector.extract_strided_slice %get3A_2 {offsets = [0], sizes = [1], strides = [1]} : vector<16xf32> to vector<1xf32>
    %squeeze3A = vector.extract %slice3A[0] : f32 from vector<1xf32>
    %slice3A_6 = vector.extract_strided_slice %get3A_2 {offsets = [1], sizes = [1], strides = [1]} : vector<16xf32> to vector<1xf32>
    %squeeze3A_7 = vector.extract %slice3A_6[0] : f32 from vector<1xf32>
    %slice3A_8 = vector.extract_strided_slice %get3A_2 {offsets = [2], sizes = [1], strides = [1]} : vector<16xf32> to vector<1xf32>
    %squeeze3A_9 = vector.extract %slice3A_8[0] : f32 from vector<1xf32>
    %slice3A_10 = vector.extract_strided_slice %get3A_2 {offsets = [3], sizes = [1], strides = [1]} : vector<16xf32> to vector<1xf32>
    %squeeze3A_11 = vector.extract %slice3A_10[0] : f32 from vector<1xf32>
    %slice3A_12 = vector.extract_strided_slice %get3A_2 {offsets = [4], sizes = [1], strides = [1]} : vector<16xf32> to vector<1xf32>
    %squeeze3A_13 = vector.extract %slice3A_12[0] : f32 from vector<1xf32>
    %slice3A_14 = vector.extract_strided_slice %get3A_2 {offsets = [5], sizes = [1], strides = [1]} : vector<16xf32> to vector<1xf32>
    %squeeze3A_15 = vector.extract %slice3A_14[0] : f32 from vector<1xf32>
    %slice3A_16 = vector.extract_strided_slice %get3A_2 {offsets = [6], sizes = [1], strides = [1]} : vector<16xf32> to vector<1xf32>
    %squeeze3A_17 = vector.extract %slice3A_16[0] : f32 from vector<1xf32>
    %slice3A_18 = vector.extract_strided_slice %get3A_2 {offsets = [7], sizes = [1], strides = [1]} : vector<16xf32> to vector<1xf32>
    %squeeze3A_19 = vector.extract %slice3A_18[0] : f32 from vector<1xf32>
    %slice3A_20 = vector.extract_strided_slice %get3A_2 {offsets = [8], sizes = [1], strides = [1]} : vector<16xf32> to vector<1xf32>
    %squeeze3A_21 = vector.extract %slice3A_20[0] : f32 from vector<1xf32>
    %slice3A_22 = vector.extract_strided_slice %get3A_2 {offsets = [9], sizes = [1], strides = [1]} : vector<16xf32> to vector<1xf32>
    %squeeze3A_23 = vector.extract %slice3A_22[0] : f32 from vector<1xf32>
    %slice3A_24 = vector.extract_strided_slice %get3A_2 {offsets = [10], sizes = [1], strides = [1]} : vector<16xf32> to vector<1xf32>
    %squeeze3A_25 = vector.extract %slice3A_24[0] : f32 from vector<1xf32>
    %slice3A_26 = vector.extract_strided_slice %get3A_2 {offsets = [11], sizes = [1], strides = [1]} : vector<16xf32> to vector<1xf32>
    %squeeze3A_27 = vector.extract %slice3A_26[0] : f32 from vector<1xf32>
    %slice3A_28 = vector.extract_strided_slice %get3A_2 {offsets = [12], sizes = [1], strides = [1]} : vector<16xf32> to vector<1xf32>
    %squeeze3A_29 = vector.extract %slice3A_28[0] : f32 from vector<1xf32>
    %slice3A_30 = vector.extract_strided_slice %get3A_2 {offsets = [13], sizes = [1], strides = [1]} : vector<16xf32> to vector<1xf32>
    %squeeze3A_31 = vector.extract %slice3A_30[0] : f32 from vector<1xf32>
    %slice3A_32 = vector.extract_strided_slice %get3A_2 {offsets = [14], sizes = [1], strides = [1]} : vector<16xf32> to vector<1xf32>
    %squeeze3A_33 = vector.extract %slice3A_32[0] : f32 from vector<1xf32>
    %slice3A_34 = vector.extract_strided_slice %get3A_2 {offsets = [15], sizes = [1], strides = [1]} : vector<16xf32> to vector<1xf32>
    %squeeze3A_35 = vector.extract %slice3A_34[0] : f32 from vector<1xf32>
    %slice3A_36 = vector.extract_strided_slice %get3A_5 {offsets = [0], sizes = [1], strides = [1]} : vector<16xf32> to vector<1xf32>
    %squeeze3A_37 = vector.extract %slice3A_36[0] : f32 from vector<1xf32>
    %slice3A_38 = vector.extract_strided_slice %get3A_5 {offsets = [1], sizes = [1], strides = [1]} : vector<16xf32> to vector<1xf32>
    %squeeze3A_39 = vector.extract %slice3A_38[0] : f32 from vector<1xf32>
    %slice3A_40 = vector.extract_strided_slice %get3A_5 {offsets = [2], sizes = [1], strides = [1]} : vector<16xf32> to vector<1xf32>
    %squeeze3A_41 = vector.extract %slice3A_40[0] : f32 from vector<1xf32>
    %slice3A_42 = vector.extract_strided_slice %get3A_5 {offsets = [3], sizes = [1], strides = [1]} : vector<16xf32> to vector<1xf32>
    %squeeze3A_43 = vector.extract %slice3A_42[0] : f32 from vector<1xf32>
    %iota3A = tpu.iota {dimensions = array<i32: 0>} : vector<16xi32>
    %mul3A_44 = arith.constant 204800 : i32
    %mul3A_45 = arith.muli %add3A, %mul3A_44 : i32
    %broadcast_in_dim3A = arith.constant 0.000000e+00 : f32
    %broadcast_in_dim3A_46 = vector.broadcast %broadcast_in_dim3A : f32 to vector<16xf32>
    %scan3A = arith.constant -65536 : i32
    %scan3A_47 = arith.constant 0 : i32
    %scan3A_48 = arith.constant 25 : i32
    %scan3A_49 = arith.addi %scan3A_47, %scan3A_48 : i32
    %scan3A_50 = arith.constant 1 : i32
    %scan3A_51 = scf.for %scan3A_56 = %scan3A_47 to %scan3A_49 step %scan3A_50 iter_args(%scan3A_57 = %broadcast_in_dim3A_46) -> (vector<16xf32>)  : i32 {
      %mul3A_58 = arith.constant 8192 : i32
      %mul3A_59 = arith.muli %scan3A_56, %mul3A_58 : i32
      %add3A_60 = arith.addi %mul3A_45, %mul3A_59 : i32
      "tpu.region"() ({
        %run_scoped3A = tpu.sem_alloc : memref<!tpu.dma_semaphore, #tpu.memory_space<semaphore_mem>>
        %dma_start3A_97 = tpu.memref_slice %arg6[%add3A_60] : memref<6553600xi32, #tpu.memory_space<hbm>> -> memref<8192xi32, #tpu.memory_space<hbm>>
        %dma_start3A_98 = tpu.memref_slice %arg6[%add3A_60] : memref<6553600xi32, #tpu.memory_space<hbm>> -> memref<8192xi32, #tpu.memory_space<hbm>>
        tpu.enqueue_dma source(%dma_start3A_98 : memref<8192xi32, #tpu.memory_space<hbm>>) target(%arg10 : memref<8192xi32, #tpu.memory_space<vmem>>) target_semaphore(%run_scoped3A : memref<!tpu.dma_semaphore, #tpu.memory_space<semaphore_mem>>)
        %dma_wait3A_99 = tpu.memref_slice %arg6[%add3A_60] : memref<6553600xi32, #tpu.memory_space<hbm>> -> memref<8192xi32, #tpu.memory_space<hbm>>
        %dma_wait3A_100 = tpu.memref_slice %arg6[%add3A_60] : memref<6553600xi32, #tpu.memory_space<hbm>> -> memref<8192xi32, #tpu.memory_space<hbm>>
        tpu.wait_dma2 semaphore(%run_scoped3A : memref<!tpu.dma_semaphore, #tpu.memory_space<semaphore_mem>>) src(%dma_wait3A_100 : memref<8192xi32, #tpu.memory_space<hbm>>) dst(%arg10 : memref<8192xi32, #tpu.memory_space<vmem>>)
        tpu.yield
      }) : () -> ()
      "tpu.region"() ({
        %run_scoped3A = tpu.sem_alloc : memref<!tpu.dma_semaphore, #tpu.memory_space<semaphore_mem>>
        %dma_start3A_97 = tpu.memref_slice %arg7[%add3A_60] : memref<6553600xi32, #tpu.memory_space<hbm>> -> memref<8192xi32, #tpu.memory_space<hbm>>
        %dma_start3A_98 = tpu.memref_slice %arg7[%add3A_60] : memref<6553600xi32, #tpu.memory_space<hbm>> -> memref<8192xi32, #tpu.memory_space<hbm>>
        tpu.enqueue_dma source(%dma_start3A_98 : memref<8192xi32, #tpu.memory_space<hbm>>) target(%arg11 : memref<8192xi32, #tpu.memory_space<vmem>>) target_semaphore(%run_scoped3A : memref<!tpu.dma_semaphore, #tpu.memory_space<semaphore_mem>>)
        %dma_wait3A_99 = tpu.memref_slice %arg7[%add3A_60] : memref<6553600xi32, #tpu.memory_space<hbm>> -> memref<8192xi32, #tpu.memory_space<hbm>>
        %dma_wait3A_100 = tpu.memref_slice %arg7[%add3A_60] : memref<6553600xi32, #tpu.memory_space<hbm>> -> memref<8192xi32, #tpu.memory_space<hbm>>
        tpu.wait_dma2 semaphore(%run_scoped3A : memref<!tpu.dma_semaphore, #tpu.memory_space<semaphore_mem>>) src(%dma_wait3A_100 : memref<8192xi32, #tpu.memory_space<hbm>>) dst(%arg11 : memref<8192xi32, #tpu.memory_space<vmem>>)
        tpu.yield
      }) : () -> ()
      %dma_start3A = arith.constant 0 : i32
      %dma_start3A_61 = tpu.memref_slice %arg2[%dma_start3A] : memref<100000xf32, #tpu.memory_space<hbm>> -> memref<100000xf32, #tpu.memory_space<hbm>>
      tpu.enqueue_indirect_dma source(%dma_start3A_61 : memref<100000xf32, #tpu.memory_space<hbm>>) target(%arg12 : memref<8192xf32, #tpu.memory_space<vmem>>) offsets(%arg10 : memref<8192xi32, #tpu.memory_space<vmem>>) semaphore(%arg22 : memref<!tpu.dma_semaphore, #tpu.memory_space<semaphore_mem>>)
      %dma_start3A_62 = arith.constant 0 : i32
      %dma_start3A_63 = tpu.memref_slice %arg3[%dma_start3A_62] : memref<100000xf32, #tpu.memory_space<hbm>> -> memref<100000xf32, #tpu.memory_space<hbm>>
      tpu.enqueue_indirect_dma source(%dma_start3A_63 : memref<100000xf32, #tpu.memory_space<hbm>>) target(%arg13 : memref<8192xf32, #tpu.memory_space<vmem>>) offsets(%arg10 : memref<8192xi32, #tpu.memory_space<vmem>>) semaphore(%arg22 : memref<!tpu.dma_semaphore, #tpu.memory_space<semaphore_mem>>)
      %dma_start3A_64 = arith.constant 0 : i32
      %dma_start3A_65 = tpu.memref_slice %arg4[%dma_start3A_64] : memref<100000xf32, #tpu.memory_space<hbm>> -> memref<100000xf32, #tpu.memory_space<hbm>>
      tpu.enqueue_indirect_dma source(%dma_start3A_65 : memref<100000xf32, #tpu.memory_space<hbm>>) target(%arg14 : memref<8192xf32, #tpu.memory_space<vmem>>) offsets(%arg10 : memref<8192xi32, #tpu.memory_space<vmem>>) semaphore(%arg22 : memref<!tpu.dma_semaphore, #tpu.memory_space<semaphore_mem>>)
      %dma_start3A_66 = arith.constant 0 : i32
      %dma_start3A_67 = tpu.memref_slice %arg5[%dma_start3A_66] : memref<100000xf32, #tpu.memory_space<hbm>> -> memref<100000xf32, #tpu.memory_space<hbm>>
      tpu.enqueue_indirect_dma source(%dma_start3A_67 : memref<100000xf32, #tpu.memory_space<hbm>>) target(%arg15 : memref<8192xf32, #tpu.memory_space<vmem>>) offsets(%arg10 : memref<8192xi32, #tpu.memory_space<vmem>>) semaphore(%arg22 : memref<!tpu.dma_semaphore, #tpu.memory_space<semaphore_mem>>)
      %dma_start3A_68 = arith.constant 0 : i32
      %dma_start3A_69 = tpu.memref_slice %arg2[%dma_start3A_68] : memref<100000xf32, #tpu.memory_space<hbm>> -> memref<100000xf32, #tpu.memory_space<hbm>>
      tpu.enqueue_indirect_dma source(%dma_start3A_69 : memref<100000xf32, #tpu.memory_space<hbm>>) target(%arg16 : memref<8192xf32, #tpu.memory_space<vmem>>) offsets(%arg11 : memref<8192xi32, #tpu.memory_space<vmem>>) semaphore(%arg22 : memref<!tpu.dma_semaphore, #tpu.memory_space<semaphore_mem>>)
      %dma_start3A_70 = arith.constant 0 : i32
      %dma_start3A_71 = tpu.memref_slice %arg3[%dma_start3A_70] : memref<100000xf32, #tpu.memory_space<hbm>> -> memref<100000xf32, #tpu.memory_space<hbm>>
      tpu.enqueue_indirect_dma source(%dma_start3A_71 : memref<100000xf32, #tpu.memory_space<hbm>>) target(%arg17 : memref<8192xf32, #tpu.memory_space<vmem>>) offsets(%arg11 : memref<8192xi32, #tpu.memory_space<vmem>>) semaphore(%arg22 : memref<!tpu.dma_semaphore, #tpu.memory_space<semaphore_mem>>)
      %dma_start3A_72 = arith.constant 0 : i32
      %dma_start3A_73 = tpu.memref_slice %arg4[%dma_start3A_72] : memref<100000xf32, #tpu.memory_space<hbm>> -> memref<100000xf32, #tpu.memory_space<hbm>>
      tpu.enqueue_indirect_dma source(%dma_start3A_73 : memref<100000xf32, #tpu.memory_space<hbm>>) target(%arg18 : memref<8192xf32, #tpu.memory_space<vmem>>) offsets(%arg11 : memref<8192xi32, #tpu.memory_space<vmem>>) semaphore(%arg22 : memref<!tpu.dma_semaphore, #tpu.memory_space<semaphore_mem>>)
      %dma_start3A_74 = arith.constant 0 : i32
      %dma_start3A_75 = tpu.memref_slice %arg5[%dma_start3A_74] : memref<100000xf32, #tpu.memory_space<hbm>> -> memref<100000xf32, #tpu.memory_space<hbm>>
      tpu.enqueue_indirect_dma source(%dma_start3A_75 : memref<100000xf32, #tpu.memory_space<hbm>>) target(%arg19 : memref<8192xf32, #tpu.memory_space<vmem>>) offsets(%arg11 : memref<8192xi32, #tpu.memory_space<vmem>>) semaphore(%arg22 : memref<!tpu.dma_semaphore, #tpu.memory_space<semaphore_mem>>)
      %dma_wait3A = arith.constant 0 : i32
      %dma_wait3A_76 = tpu.memref_slice %arg2[%dma_wait3A] : memref<100000xf32, #tpu.memory_space<hbm>> -> memref<100000xf32, #tpu.memory_space<hbm>>
      tpu.wait_indirect_dma semaphore(%arg22 : memref<!tpu.dma_semaphore, #tpu.memory_space<semaphore_mem>>) src(%dma_wait3A_76 : memref<100000xf32, #tpu.memory_space<hbm>>) dst(%arg12 : memref<8192xf32, #tpu.memory_space<vmem>>)
      %dma_wait3A_77 = arith.constant 0 : i32
      %dma_wait3A_78 = tpu.memref_slice %arg3[%dma_wait3A_77] : memref<100000xf32, #tpu.memory_space<hbm>> -> memref<100000xf32, #tpu.memory_space<hbm>>
      tpu.wait_indirect_dma semaphore(%arg22 : memref<!tpu.dma_semaphore, #tpu.memory_space<semaphore_mem>>) src(%dma_wait3A_78 : memref<100000xf32, #tpu.memory_space<hbm>>) dst(%arg13 : memref<8192xf32, #tpu.memory_space<vmem>>)
      %dma_wait3A_79 = arith.constant 0 : i32
      %dma_wait3A_80 = tpu.memref_slice %arg4[%dma_wait3A_79] : memref<100000xf32, #tpu.memory_space<hbm>> -> memref<100000xf32, #tpu.memory_space<hbm>>
      tpu.wait_indirect_dma semaphore(%arg22 : memref<!tpu.dma_semaphore, #tpu.memory_space<semaphore_mem>>) src(%dma_wait3A_80 : memref<100000xf32, #tpu.memory_space<hbm>>) dst(%arg14 : memref<8192xf32, #tpu.memory_space<vmem>>)
      %dma_wait3A_81 = arith.constant 0 : i32
      %dma_wait3A_82 = tpu.memref_slice %arg5[%dma_wait3A_81] : memref<100000xf32, #tpu.memory_space<hbm>> -> memref<100000xf32, #tpu.memory_space<hbm>>
      tpu.wait_indirect_dma semaphore(%arg22 : memref<!tpu.dma_semaphore, #tpu.memory_space<semaphore_mem>>) src(%dma_wait3A_82 : memref<100000xf32, #tpu.memory_space<hbm>>) dst(%arg15 : memref<8192xf32, #tpu.memory_space<vmem>>)
      %dma_wait3A_83 = arith.constant 0 : i32
      %dma_wait3A_84 = tpu.memref_slice %arg2[%dma_wait3A_83] : memref<100000xf32, #tpu.memory_space<hbm>> -> memref<100000xf32, #tpu.memory_space<hbm>>
      tpu.wait_indirect_dma semaphore(%arg22 : memref<!tpu.dma_semaphore, #tpu.memory_space<semaphore_mem>>) src(%dma_wait3A_84 : memref<100000xf32, #tpu.memory_space<hbm>>) dst(%arg16 : memref<8192xf32, #tpu.memory_space<vmem>>)
      %dma_wait3A_85 = arith.constant 0 : i32
      %dma_wait3A_86 = tpu.memref_slice %arg3[%dma_wait3A_85] : memref<100000xf32, #tpu.memory_space<hbm>> -> memref<100000xf32, #tpu.memory_space<hbm>>
      tpu.wait_indirect_dma semaphore(%arg22 : memref<!tpu.dma_semaphore, #tpu.memory_space<semaphore_mem>>) src(%dma_wait3A_86 : memref<100000xf32, #tpu.memory_space<hbm>>) dst(%arg17 : memref<8192xf32, #tpu.memory_space<vmem>>)
      %dma_wait3A_87 = arith.constant 0 : i32
      %dma_wait3A_88 = tpu.memref_slice %arg4[%dma_wait3A_87] : memref<100000xf32, #tpu.memory_space<hbm>> -> memref<100000xf32, #tpu.memory_space<hbm>>
      tpu.wait_indirect_dma semaphore(%arg22 : memref<!tpu.dma_semaphore, #tpu.memory_space<semaphore_mem>>) src(%dma_wait3A_88 : memref<100000xf32, #tpu.memory_space<hbm>>) dst(%arg18 : memref<8192xf32, #tpu.memory_space<vmem>>)
      %dma_wait3A_89 = arith.constant 0 : i32
      %dma_wait3A_90 = tpu.memref_slice %arg5[%dma_wait3A_89] : memref<100000xf32, #tpu.memory_space<hbm>> -> memref<100000xf32, #tpu.memory_space<hbm>>
      tpu.wait_indirect_dma semaphore(%arg22 : memref<!tpu.dma_semaphore, #tpu.memory_space<semaphore_mem>>) src(%dma_wait3A_90 : memref<100000xf32, #tpu.memory_space<hbm>>) dst(%arg19 : memref<8192xf32, #tpu.memory_space<vmem>>)
      %scan3A_91 = arith.constant 0 : i32
      %scan3A_92 = arith.constant 512 : i32
      %scan3A_93 = arith.addi %scan3A_91, %scan3A_92 : i32
      %scan3A_94 = arith.constant 1 : i32
      %scan3A_95 = scf.for %scan3A_97 = %scan3A_91 to %scan3A_93 step %scan3A_94 iter_args(%scan3A_98 = %scan3A_57) -> (vector<16xf32>)  : i32 {
        %mul3A_99 = arith.constant 16 : i32
        %mul3A_100 = arith.muli %scan3A_97, %mul3A_99 : i32
        %get3A_101 = arith.index_cast %mul3A_100 : i32 to index
        %get3A_102 = tpu.vector_load %arg12[%get3A_101] {strides = array<i32>} : memref<8192xf32, #tpu.memory_space<vmem>>, vector<16xf32>,
        %get3A_103 = vector.shape_cast %get3A_102 : vector<16xf32> to vector<16xf32>
        %get3A_104 = arith.index_cast %mul3A_100 : i32 to index
        %get3A_105 = tpu.vector_load %arg13[%get3A_104] {strides = array<i32>} : memref<8192xf32, #tpu.memory_space<vmem>>, vector<16xf32>,
        %get3A_106 = vector.shape_cast %get3A_105 : vector<16xf32> to vector<16xf32>
        %get3A_107 = arith.index_cast %mul3A_100 : i32 to index
        %get3A_108 = tpu.vector_load %arg14[%get3A_107] {strides = array<i32>} : memref<8192xf32, #tpu.memory_space<vmem>>, vector<16xf32>,
        %get3A_109 = vector.shape_cast %get3A_108 : vector<16xf32> to vector<16xf32>
        %get3A_110 = arith.index_cast %mul3A_100 : i32 to index
        %get3A_111 = tpu.vector_load %arg15[%get3A_110] {strides = array<i32>} : memref<8192xf32, #tpu.memory_space<vmem>>, vector<16xf32>,
        %get3A_112 = vector.shape_cast %get3A_111 : vector<16xf32> to vector<16xf32>
        %get3A_113 = arith.index_cast %mul3A_100 : i32 to index
        %get3A_114 = tpu.vector_load %arg16[%get3A_113] {strides = array<i32>} : memref<8192xf32, #tpu.memory_space<vmem>>, vector<16xf32>,
        %get3A_115 = vector.shape_cast %get3A_114 : vector<16xf32> to vector<16xf32>
        %get3A_116 = arith.index_cast %mul3A_100 : i32 to index
        %get3A_117 = tpu.vector_load %arg17[%get3A_116] {strides = array<i32>} : memref<8192xf32, #tpu.memory_space<vmem>>, vector<16xf32>,
        %get3A_118 = vector.shape_cast %get3A_117 : vector<16xf32> to vector<16xf32>
        %get3A_119 = arith.index_cast %mul3A_100 : i32 to index
        %get3A_120 = tpu.vector_load %arg18[%get3A_119] {strides = array<i32>} : memref<8192xf32, #tpu.memory_space<vmem>>, vector<16xf32>,
        %get3A_121 = vector.shape_cast %get3A_120 : vector<16xf32> to vector<16xf32>
        %get3A_122 = arith.index_cast %mul3A_100 : i32 to index
        %get3A_123 = tpu.vector_load %arg19[%get3A_122] {strides = array<i32>} : memref<8192xf32, #tpu.memory_space<vmem>>, vector<16xf32>,
        %get3A_124 = vector.shape_cast %get3A_123 : vector<16xf32> to vector<16xf32>
        %sub3A = arith.subf %get3A_103, %get3A_115 : vector<16xf32>
        %bitcast_convert_type3A = tpu.bitcast %sub3A : vector<16xf32> -> vector<16xi32>
        %add3A_125 = arith.constant 32767 : i32
        %add3A_126 = vector.broadcast %add3A_125 : i32 to vector<16xi32>
        %add3A_127 = arith.addi %bitcast_convert_type3A, %add3A_126 : vector<16xi32>
        %shift_right_logical3A = arith.constant 16 : i32
        %shift_right_logical3A_128 = vector.broadcast %shift_right_logical3A : i32 to vector<16xi32>
        %shift_right_logical3A_129 = arith.shrui %bitcast_convert_type3A, %shift_right_logical3A_128 : vector<16xi32>
        %and3A = arith.constant 1 : i32
        %and3A_130 = vector.broadcast %and3A : i32 to vector<16xi32>
        %and3A_131 = arith.andi %shift_right_logical3A_129, %and3A_130 : vector<16xi32>
        %add3A_132 = arith.addi %add3A_127, %and3A_131 : vector<16xi32>
        %and3A_133 = vector.broadcast %scan3A : i32 to vector<16xi32>
        %and3A_134 = arith.andi %add3A_132, %and3A_133 : vector<16xi32>
        %bitcast_convert_type3A_135 = tpu.bitcast %and3A_134 : vector<16xi32> -> vector<16xf32>
        %sub3A_136 = arith.subf %get3A_106, %get3A_118 : vector<16xf32>
        %bitcast_convert_type3A_137 = tpu.bitcast %sub3A_136 : vector<16xf32> -> vector<16xi32>
        %add3A_138 = arith.constant 32767 : i32
        %add3A_139 = vector.broadcast %add3A_138 : i32 to vector<16xi32>
        %add3A_140 = arith.addi %bitcast_convert_type3A_137, %add3A_139 : vector<16xi32>
        %shift_right_logical3A_141 = arith.constant 16 : i32
        %shift_right_logical3A_142 = vector.broadcast %shift_right_logical3A_141 : i32 to vector<16xi32>
        %shift_right_logical3A_143 = arith.shrui %bitcast_convert_type3A_137, %shift_right_logical3A_142 : vector<16xi32>
        %and3A_144 = arith.constant 1 : i32
        %and3A_145 = vector.broadcast %and3A_144 : i32 to vector<16xi32>
        %and3A_146 = arith.andi %shift_right_logical3A_143, %and3A_145 : vector<16xi32>
        %add3A_147 = arith.addi %add3A_140, %and3A_146 : vector<16xi32>
        %and3A_148 = vector.broadcast %scan3A : i32 to vector<16xi32>
        %and3A_149 = arith.andi %add3A_147, %and3A_148 : vector<16xi32>
        %bitcast_convert_type3A_150 = tpu.bitcast %and3A_149 : vector<16xi32> -> vector<16xf32>
        %sub3A_151 = arith.subf %get3A_109, %get3A_121 : vector<16xf32>
        %bitcast_convert_type3A_152 = tpu.bitcast %sub3A_151 : vector<16xf32> -> vector<16xi32>
        %add3A_153 = arith.constant 32767 : i32
        %add3A_154 = vector.broadcast %add3A_153 : i32 to vector<16xi32>
        %add3A_155 = arith.addi %bitcast_convert_type3A_152, %add3A_154 : vector<16xi32>
        %shift_right_logical3A_156 = arith.constant 16 : i32
        %shift_right_logical3A_157 = vector.broadcast %shift_right_logical3A_156 : i32 to vector<16xi32>
        %shift_right_logical3A_158 = arith.shrui %bitcast_convert_type3A_152, %shift_right_logical3A_157 : vector<16xi32>
        %and3A_159 = arith.constant 1 : i32
        %and3A_160 = vector.broadcast %and3A_159 : i32 to vector<16xi32>
        %and3A_161 = arith.andi %shift_right_logical3A_158, %and3A_160 : vector<16xi32>
        %add3A_162 = arith.addi %add3A_155, %and3A_161 : vector<16xi32>
        %and3A_163 = vector.broadcast %scan3A : i32 to vector<16xi32>
        %and3A_164 = arith.andi %add3A_162, %and3A_163 : vector<16xi32>
        %bitcast_convert_type3A_165 = tpu.bitcast %and3A_164 : vector<16xi32> -> vector<16xf32>
        %mul3A_166 = vector.broadcast %squeeze3A_23 : f32 to vector<16xf32>
        %mul3A_167 = arith.mulf %bitcast_convert_type3A_135, %mul3A_166 : vector<16xf32>
        %mul3A_168 = vector.broadcast %squeeze3A_29 : f32 to vector<16xf32>
        %mul3A_169 = arith.mulf %bitcast_convert_type3A_150, %mul3A_168 : vector<16xf32>
        %add3A_170 = arith.addf %mul3A_167, %mul3A_169 : vector<16xf32>
        %mul3A_171 = vector.broadcast %squeeze3A_35 : f32 to vector<16xf32>
        %mul3A_172 = arith.mulf %bitcast_convert_type3A_165, %mul3A_171 : vector<16xf32>
        %add3A_173 = arith.addf %add3A_170, %mul3A_172 : vector<16xf32>
        %mul3A_174 = vector.broadcast %squeeze3A_25 : f32 to vector<16xf32>
        %mul3A_175 = arith.mulf %bitcast_convert_type3A_135, %mul3A_174 : vector<16xf32>
        %mul3A_176 = vector.broadcast %squeeze3A_31 : f32 to vector<16xf32>
        %mul3A_177 = arith.mulf %bitcast_convert_type3A_150, %mul3A_176 : vector<16xf32>
        %add3A_178 = arith.addf %mul3A_175, %mul3A_177 : vector<16xf32>
        %mul3A_179 = vector.broadcast %squeeze3A_37 : f32 to vector<16xf32>
        %mul3A_180 = arith.mulf %bitcast_convert_type3A_165, %mul3A_179 : vector<16xf32>
        %add3A_181 = arith.addf %add3A_178, %mul3A_180 : vector<16xf32>
        %mul3A_182 = vector.broadcast %squeeze3A_27 : f32 to vector<16xf32>
        %mul3A_183 = arith.mulf %bitcast_convert_type3A_135, %mul3A_182 : vector<16xf32>
        %mul3A_184 = vector.broadcast %squeeze3A_33 : f32 to vector<16xf32>
        %mul3A_185 = arith.mulf %bitcast_convert_type3A_150, %mul3A_184 : vector<16xf32>
        %add3A_186 = arith.addf %mul3A_183, %mul3A_185 : vector<16xf32>
        %mul3A_187 = vector.broadcast %squeeze3A_39 : f32 to vector<16xf32>
        %mul3A_188 = arith.mulf %bitcast_convert_type3A_165, %mul3A_187 : vector<16xf32>
        %add3A_189 = arith.addf %add3A_186, %mul3A_188 : vector<16xf32>
        %add3A_190 = arith.constant 5.000000e-01 : f32
        %add3A_191 = vector.broadcast %add3A_190 : f32 to vector<16xf32>
        %add3A_192 = arith.addf %add3A_173, %add3A_191 : vector<16xf32>
        %convert_element_type3A = arith.fptosi %add3A_192 : vector<16xf32> to vector<16xi32>
        %convert_element_type3A_193 = arith.sitofp %convert_element_type3A : vector<16xi32> to vector<16xf32>
        %gt3A = arith.cmpf ogt, %convert_element_type3A_193, %add3A_192 : vector<16xf32>
        %sub3A_194 = arith.constant 1.000000e+00 : f32
        %sub3A_195 = vector.broadcast %sub3A_194 : f32 to vector<16xf32>
        %sub3A_196 = arith.subf %convert_element_type3A_193, %sub3A_195 : vector<16xf32>
        %select_n3A = arith.select %gt3A, %sub3A_196, %convert_element_type3A_193 : vector<16xi1>, vector<16xf32>
        %sub3A_197 = arith.subf %add3A_173, %select_n3A : vector<16xf32>
        %bitcast_convert_type3A_198 = tpu.bitcast %sub3A_197 : vector<16xf32> -> vector<16xi32>
        %add3A_199 = arith.constant 32767 : i32
        %add3A_200 = vector.broadcast %add3A_199 : i32 to vector<16xi32>
        %add3A_201 = arith.addi %bitcast_convert_type3A_198, %add3A_200 : vector<16xi32>
        %shift_right_logical3A_202 = arith.constant 16 : i32
        %shift_right_logical3A_203 = vector.broadcast %shift_right_logical3A_202 : i32 to vector<16xi32>
        %shift_right_logical3A_204 = arith.shrui %bitcast_convert_type3A_198, %shift_right_logical3A_203 : vector<16xi32>
        %and3A_205 = arith.constant 1 : i32
        %and3A_206 = vector.broadcast %and3A_205 : i32 to vector<16xi32>
        %and3A_207 = arith.andi %shift_right_logical3A_204, %and3A_206 : vector<16xi32>
        %add3A_208 = arith.addi %add3A_201, %and3A_207 : vector<16xi32>
        %and3A_209 = vector.broadcast %scan3A : i32 to vector<16xi32>
        %and3A_210 = arith.andi %add3A_208, %and3A_209 : vector<16xi32>
        %bitcast_convert_type3A_211 = tpu.bitcast %and3A_210 : vector<16xi32> -> vector<16xf32>
        %add3A_212 = arith.constant 5.000000e-01 : f32
        %add3A_213 = vector.broadcast %add3A_212 : f32 to vector<16xf32>
        %add3A_214 = arith.addf %add3A_181, %add3A_213 : vector<16xf32>
        %convert_element_type3A_215 = arith.fptosi %add3A_214 : vector<16xf32> to vector<16xi32>
        %convert_element_type3A_216 = arith.sitofp %convert_element_type3A_215 : vector<16xi32> to vector<16xf32>
        %gt3A_217 = arith.cmpf ogt, %convert_element_type3A_216, %add3A_214 : vector<16xf32>
        %sub3A_218 = arith.constant 1.000000e+00 : f32
        %sub3A_219 = vector.broadcast %sub3A_218 : f32 to vector<16xf32>
        %sub3A_220 = arith.subf %convert_element_type3A_216, %sub3A_219 : vector<16xf32>
        %select_n3A_221 = arith.select %gt3A_217, %sub3A_220, %convert_element_type3A_216 : vector<16xi1>, vector<16xf32>
        %sub3A_222 = arith.subf %add3A_181, %select_n3A_221 : vector<16xf32>
        %bitcast_convert_type3A_223 = tpu.bitcast %sub3A_222 : vector<16xf32> -> vector<16xi32>
        %add3A_224 = arith.constant 32767 : i32
        %add3A_225 = vector.broadcast %add3A_224 : i32 to vector<16xi32>
        %add3A_226 = arith.addi %bitcast_convert_type3A_223, %add3A_225 : vector<16xi32>
        %shift_right_logical3A_227 = arith.constant 16 : i32
        %shift_right_logical3A_228 = vector.broadcast %shift_right_logical3A_227 : i32 to vector<16xi32>
        %shift_right_logical3A_229 = arith.shrui %bitcast_convert_type3A_223, %shift_right_logical3A_228 : vector<16xi32>
        %and3A_230 = arith.constant 1 : i32
        %and3A_231 = vector.broadcast %and3A_230 : i32 to vector<16xi32>
        %and3A_232 = arith.andi %shift_right_logical3A_229, %and3A_231 : vector<16xi32>
        %add3A_233 = arith.addi %add3A_226, %and3A_232 : vector<16xi32>
        %and3A_234 = vector.broadcast %scan3A : i32 to vector<16xi32>
        %and3A_235 = arith.andi %add3A_233, %and3A_234 : vector<16xi32>
        %bitcast_convert_type3A_236 = tpu.bitcast %and3A_235 : vector<16xi32> -> vector<16xf32>
        %add3A_237 = arith.constant 5.000000e-01 : f32
        %add3A_238 = vector.broadcast %add3A_237 : f32 to vector<16xf32>
        %add3A_239 = arith.addf %add3A_189, %add3A_238 : vector<16xf32>
        %convert_element_type3A_240 = arith.fptosi %add3A_239 : vector<16xf32> to vector<16xi32>
        %convert_element_type3A_241 = arith.sitofp %convert_element_type3A_240 : vector<16xi32> to vector<16xf32>
        %gt3A_242 = arith.cmpf ogt, %convert_element_type3A_241, %add3A_239 : vector<16xf32>
        %sub3A_243 = arith.constant 1.000000e+00 : f32
        %sub3A_244 = vector.broadcast %sub3A_243 : f32 to vector<16xf32>
        %sub3A_245 = arith.subf %convert_element_type3A_241, %sub3A_244 : vector<16xf32>
        %select_n3A_246 = arith.select %gt3A_242, %sub3A_245, %convert_element_type3A_241 : vector<16xi1>, vector<16xf32>
        %sub3A_247 = arith.subf %add3A_189, %select_n3A_246 : vector<16xf32>
        %bitcast_convert_type3A_248 = tpu.bitcast %sub3A_247 : vector<16xf32> -> vector<16xi32>
        %add3A_249 = arith.constant 32767 : i32
        %add3A_250 = vector.broadcast %add3A_249 : i32 to vector<16xi32>
        %add3A_251 = arith.addi %bitcast_convert_type3A_248, %add3A_250 : vector<16xi32>
        %shift_right_logical3A_252 = arith.constant 16 : i32
        %shift_right_logical3A_253 = vector.broadcast %shift_right_logical3A_252 : i32 to vector<16xi32>
        %shift_right_logical3A_254 = arith.shrui %bitcast_convert_type3A_248, %shift_right_logical3A_253 : vector<16xi32>
        %and3A_255 = arith.constant 1 : i32
        %and3A_256 = vector.broadcast %and3A_255 : i32 to vector<16xi32>
        %and3A_257 = arith.andi %shift_right_logical3A_254, %and3A_256 : vector<16xi32>
        %add3A_258 = arith.addi %add3A_251, %and3A_257 : vector<16xi32>
        %and3A_259 = vector.broadcast %scan3A : i32 to vector<16xi32>
        %and3A_260 = arith.andi %add3A_258, %and3A_259 : vector<16xi32>
        %bitcast_convert_type3A_261 = tpu.bitcast %and3A_260 : vector<16xi32> -> vector<16xf32>
        %mul3A_262 = vector.broadcast %squeeze3A : f32 to vector<16xf32>
        %mul3A_263 = arith.mulf %bitcast_convert_type3A_211, %mul3A_262 : vector<16xf32>
        %mul3A_264 = vector.broadcast %squeeze3A_11 : f32 to vector<16xf32>
        %mul3A_265 = arith.mulf %bitcast_convert_type3A_236, %mul3A_264 : vector<16xf32>
        %add3A_266 = arith.addf %mul3A_263, %mul3A_265 : vector<16xf32>
        %mul3A_267 = vector.broadcast %squeeze3A_17 : f32 to vector<16xf32>
        %mul3A_268 = arith.mulf %bitcast_convert_type3A_261, %mul3A_267 : vector<16xf32>
        %add3A_269 = arith.addf %add3A_266, %mul3A_268 : vector<16xf32>
        %mul3A_270 = vector.broadcast %squeeze3A_7 : f32 to vector<16xf32>
        %mul3A_271 = arith.mulf %bitcast_convert_type3A_211, %mul3A_270 : vector<16xf32>
        %mul3A_272 = vector.broadcast %squeeze3A_13 : f32 to vector<16xf32>
        %mul3A_273 = arith.mulf %bitcast_convert_type3A_236, %mul3A_272 : vector<16xf32>
        %add3A_274 = arith.addf %mul3A_271, %mul3A_273 : vector<16xf32>
        %mul3A_275 = vector.broadcast %squeeze3A_19 : f32 to vector<16xf32>
        %mul3A_276 = arith.mulf %bitcast_convert_type3A_261, %mul3A_275 : vector<16xf32>
        %add3A_277 = arith.addf %add3A_274, %mul3A_276 : vector<16xf32>
        %mul3A_278 = vector.broadcast %squeeze3A_9 : f32 to vector<16xf32>
        %mul3A_279 = arith.mulf %bitcast_convert_type3A_211, %mul3A_278 : vector<16xf32>
        %mul3A_280 = vector.broadcast %squeeze3A_15 : f32 to vector<16xf32>
        %mul3A_281 = arith.mulf %bitcast_convert_type3A_236, %mul3A_280 : vector<16xf32>
        %add3A_282 = arith.addf %mul3A_279, %mul3A_281 : vector<16xf32>
        %mul3A_283 = vector.broadcast %squeeze3A_21 : f32 to vector<16xf32>
        %mul3A_284 = arith.mulf %bitcast_convert_type3A_261, %mul3A_283 : vector<16xf32>
        %add3A_285 = arith.addf %add3A_282, %mul3A_284 : vector<16xf32>
        %mul3A_286 = arith.mulf %add3A_269, %add3A_269 : vector<16xf32>
        %mul3A_287 = arith.mulf %add3A_277, %add3A_277 : vector<16xf32>
        %add3A_288 = arith.addf %mul3A_286, %mul3A_287 : vector<16xf32>
        %mul3A_289 = arith.mulf %add3A_285, %add3A_285 : vector<16xf32>
        %add3A_290 = arith.addf %add3A_288, %mul3A_289 : vector<16xf32>
        %bitcast_convert_type3A_291 = tpu.bitcast %add3A_290 : vector<16xf32> -> vector<16xi32>
        %shift_right_logical3A_292 = arith.constant 1 : i32
        %shift_right_logical3A_293 = vector.broadcast %shift_right_logical3A_292 : i32 to vector<16xi32>
        %shift_right_logical3A_294 = arith.shrui %bitcast_convert_type3A_291, %shift_right_logical3A_293 : vector<16xi32>
        %sub3A_295 = arith.constant 1597463007 : i32
        %sub3A_296 = vector.broadcast %sub3A_295 : i32 to vector<16xi32>
        %sub3A_297 = arith.subi %sub3A_296, %shift_right_logical3A_294 : vector<16xi32>
        %bitcast_convert_type3A_298 = tpu.bitcast %sub3A_297 : vector<16xi32> -> vector<16xf32>
        %mul3A_299 = arith.constant 5.000000e-01 : f32
        %mul3A_300 = vector.broadcast %mul3A_299 : f32 to vector<16xf32>
        %mul3A_301 = arith.mulf %mul3A_300, %add3A_290 : vector<16xf32>
        %mul3A_302 = arith.mulf %mul3A_301, %bitcast_convert_type3A_298 : vector<16xf32>
        %mul3A_303 = arith.mulf %mul3A_302, %bitcast_convert_type3A_298 : vector<16xf32>
        %sub3A_304 = arith.constant 1.500000e+00 : f32
        %sub3A_305 = vector.broadcast %sub3A_304 : f32 to vector<16xf32>
        %sub3A_306 = arith.subf %sub3A_305, %mul3A_303 : vector<16xf32>
        %mul3A_307 = arith.mulf %bitcast_convert_type3A_298, %sub3A_306 : vector<16xf32>
        %mul3A_308 = arith.mulf %mul3A_301, %mul3A_307 : vector<16xf32>
        %mul3A_309 = arith.mulf %mul3A_308, %mul3A_307 : vector<16xf32>
        %sub3A_310 = arith.constant 1.500000e+00 : f32
        %sub3A_311 = vector.broadcast %sub3A_310 : f32 to vector<16xf32>
        %sub3A_312 = arith.subf %sub3A_311, %mul3A_309 : vector<16xf32>
        %mul3A_313 = arith.mulf %mul3A_307, %sub3A_312 : vector<16xf32>
        %mul3A_314 = arith.mulf %mul3A_301, %mul3A_313 : vector<16xf32>
        %mul3A_315 = arith.mulf %mul3A_314, %mul3A_313 : vector<16xf32>
        %sub3A_316 = arith.constant 1.500000e+00 : f32
        %sub3A_317 = vector.broadcast %sub3A_316 : f32 to vector<16xf32>
        %sub3A_318 = arith.subf %sub3A_317, %mul3A_315 : vector<16xf32>
        %mul3A_319 = arith.mulf %mul3A_313, %sub3A_318 : vector<16xf32>
        %mul3A_320 = arith.mulf %get3A_112, %get3A_124 : vector<16xf32>
        %sub3A_321 = vector.broadcast %squeeze3A_43 : f32 to vector<16xf32>
        %sub3A_322 = arith.subf %mul3A_319, %sub3A_321 : vector<16xf32>
        %mul3A_323 = arith.mulf %mul3A_320, %sub3A_322 : vector<16xf32>
        %mul3A_324 = arith.constant 16 : i32
        %mul3A_325 = arith.muli %scan3A_97, %mul3A_324 : i32
        %add3A_326 = arith.addi %add3A_60, %mul3A_325 : i32
        %add3A_327 = vector.broadcast %add3A_326 : i32 to vector<16xi32>
        %add3A_328 = arith.addi %add3A_327, %iota3A : vector<16xi32>
        %le3A = vector.broadcast %squeeze3A_41 : f32 to vector<16xf32>
        %le3A_329 = arith.cmpf ole, %add3A_290, %le3A : vector<16xf32>
        %lt3A = arith.constant 6400000 : i32
        %lt3A_330 = vector.broadcast %lt3A : i32 to vector<16xi32>
        %lt3A_331 = arith.cmpi slt, %add3A_328, %lt3A_330 : vector<16xi32>
        %and3A_332 = arith.andi %le3A_329, %lt3A_331 : vector<16xi1>
        %jit3A = arith.constant 0.000000e+00 : f32
        %broadcast_in_dim3A_333 = vector.broadcast %jit3A : f32 to vector<16xf32>
        %select_n3A_334 = arith.select %and3A_332, %mul3A_323, %broadcast_in_dim3A_333 : vector<16xi1>, vector<16xf32>
        %add3A_335 = arith.addf %scan3A_98, %select_n3A_334 : vector<16xf32>
        scf.yield %add3A_335 : vector<16xf32>
      }
      %scan3A_96 = arith.constant 512 : i32
      scf.yield %scan3A_95 : vector<16xf32>
    }
    %scan3A_52 = arith.constant 25 : i32
    %swap3A = arith.constant 0 : index
    %swap3A_53 = tpu.vector_load %arg21[%swap3A] {strides = array<i32>} : memref<16xf32, #tpu.memory_space<vmem>>, vector<16xf32>,
    %swap3A_54 = vector.shape_cast %swap3A_53 : vector<16xf32> to vector<16xf32>
    %swap3A_55 = vector.shape_cast %scan3A_51 : vector<16xf32> to vector<16xf32>
    tpu.vector_store %arg21[%swap3A], %swap3A_55 {strides = array<i32>} : memref<16xf32, #tpu.memory_space<vmem>>, vector<16xf32>,
    "tpu.region"() ({
      %run_scoped3A = tpu.sem_alloc : memref<!tpu.dma_semaphore, #tpu.memory_space<semaphore_mem>>
      %dma_start3A = arith.constant 0 : i32
      %dma_start3A_56 = tpu.memref_slice %arg9[%add3A, %dma_start3A] : memref<32x16xf32, #tpu.memory_space<hbm>> -> memref<1x16xf32, #tpu.memory_space<hbm>>
      %dma_start3A_57 = tpu.memref_squeeze %dma_start3A_56 : memref<1x16xf32, #tpu.memory_space<hbm>> -> memref<16xf32, #tpu.memory_space<hbm>>
      %dma_start3A_58 = arith.constant 0 : i32
      %dma_start3A_59 = tpu.memref_slice %arg9[%add3A, %dma_start3A_58] : memref<32x16xf32, #tpu.memory_space<hbm>> -> memref<1x16xf32, #tpu.memory_space<hbm>>
      %dma_start3A_60 = tpu.memref_squeeze %dma_start3A_59 : memref<1x16xf32, #tpu.memory_space<hbm>> -> memref<16xf32, #tpu.memory_space<hbm>>
      tpu.enqueue_dma source(%arg21 : memref<16xf32, #tpu.memory_space<vmem>>) target(%dma_start3A_60 : memref<16xf32, #tpu.memory_space<hbm>>) target_semaphore(%run_scoped3A : memref<!tpu.dma_semaphore, #tpu.memory_space<semaphore_mem>>)
      %dma_wait3A = arith.constant 0 : i32
      %dma_wait3A_61 = tpu.memref_slice %arg9[%add3A, %dma_wait3A] : memref<32x16xf32, #tpu.memory_space<hbm>> -> memref<1x16xf32, #tpu.memory_space<hbm>>
      %dma_wait3A_62 = tpu.memref_squeeze %dma_wait3A_61 : memref<1x16xf32, #tpu.memory_space<hbm>> -> memref<16xf32, #tpu.memory_space<hbm>>
      %dma_wait3A_63 = arith.constant 0 : i32
      %dma_wait3A_64 = tpu.memref_slice %arg9[%add3A, %dma_wait3A_63] : memref<32x16xf32, #tpu.memory_space<hbm>> -> memref<1x16xf32, #tpu.memory_space<hbm>>
      %dma_wait3A_65 = tpu.memref_squeeze %dma_wait3A_64 : memref<1x16xf32, #tpu.memory_space<hbm>> -> memref<16xf32, #tpu.memory_space<hbm>>
      tpu.wait_dma2 semaphore(%run_scoped3A : memref<!tpu.dma_semaphore, #tpu.memory_space<semaphore_mem>>) src(%arg21 : memref<16xf32, #tpu.memory_space<vmem>>) dst(%dma_wait3A_65 : memref<16xf32, #tpu.memory_space<hbm>>)
      tpu.yield
    }) : () -> ()
    return
  }
}

</mosaic_0001>

<sc_bundles>
// kernel: kernel.3.cloned.1.call-start
scs
__scs_entry_jumppad:
0x0: {  	(pc) =	sbr.rel $0x88, $3  }
0x1: {  	(tag) =	ssettag $0x0;
	lr =	simm.s32 $0x1  }
0x2: {  	[smem:$0x3F9B] =	sst lr;
	_ =	strace $0xD0000000  }
0x3: {  	_ = 	snop  }
0x4: {  	_ = 	snop  }
0x5: {  	_ = 	snop  }
0x6: {  	_ = 	snop  }
0x7: {  	_ = 	snop  }
__scs_overlays_trampoline_lowered:
0x8: {  	[smem:$0x3FAA] =	sst s0  }
0x9: {  	[smem:$0x3FAB] =	sst s1  }
0xa: {  	[smem:$0x3FAC] =	sst s2  }
0xb: {  	[smem:$0x3FAD] =	sst s3  }
0xc: {  	[smem:$0x3FAE] =	sst s4  }
0xd: {  	[smem:$0x3FAF] =	sst s5  }
0xe: {  	[smem:$0x3FB0] =	sst s6  }
0xf: {  	[smem:$0x3FB1] =	sst s7  }
0x10: {  	[smem:$0x3FB2] =	sst s8  }
0x11: {  	[smem:$0x3FB3] =	sst s9;
	s0 =	simm.s32 @!p0 $0x0  }
0x12: {  	s1 =	sld [smem:$0x3F99];
	s0 =	simm.s32 @p0 $0x1  }
0x13: {  	[smem:$0x3FB4] =	sst s0;
	s0 =	simm.s32 @!p1 $0x0  }
0x14: {  	s2 =	sld [smem:$0x3F98];
	s0 =	simm.s32 @p1 $0x1  }
0x15: {  	[smem:$0x3FB5] =	sst s0;
	s0 =	simm.s32 @!p2 $0x0  }
0x16: {  	s3 =	sld [smem:$0x3FDB];
	s0 =	simm.s32 @p2 $0x1  }
0x17: {  	s4 =	simm.s32 $0x1BF5;
	[smem:$0x3FB7] =	sst s0  }
0x18: {  	s0 =	sld [smem:$0x3F9A];
	_ =	swait.ge [sflag:s4], $0x0  }
0x19: {  	s7 =	sld [smem:$0x3F9B]  }
0x1a: {  	s8 =	sadd.s32 $0xFFFFE003, lr  }
0x1b: {  	s9 =	sadd.s32 $0xFFFFFEF7, lr;
	s5 =	simm.s32 $0xFFFFFFFF;
	p2 =	slt.u32 s8, $0xFFFFF086  }
0x1c: {  	p1 =	slt.u32 s9, $0xF7A;
	s5 =	simm.s32 @!p2 $0x0  }
0x1d: {  	s5 =	simm.s32 @p1 $0x1;
	p0 =	seq.s32 s7, s2  }
0x1e: {  	s7 =	smul.u32 @!p0 $0xF7A, s2;
	p2 =	seq.s32 @!p0 s5, $0x0  }
0x1f: {  	s9 =	smul.u32 $0xF7A, s1;
	s8 =	simm.s32 @!p0 $0x1BF5;
	p2 =	por !p2, p0  }
0x20: {  	[sflag:s8] =	ssyncset.s32 @!p0 $0xFFFFF086;
	s6 =	sadd.s32 @!p0 s3, s7;
	s7 =	simm.s32 @!p0 $0x108  }
0x21: {  	s3 =	sadd.s32 s3, s9;
	s6 =	sadd.s32 @!p0 $0x88, s6;
	s7 =	simm.s32 @p2 $0x1082  }
0x22: {  	[simem:s7], [sflag:s8] =	dma.local @!p0 [hbm:s6], $0xF7A  }
0x23: {  	s9 =	sor.u32 $0xD0000000, s2;
	s6 =	simm.s32 $0x108;
	_ =	swait.ge @!p0 [sflag:s8], $0x0  }
0x24: {  	s3 =	sadd.s32 $0x88, s3;
	s6 =	simm.s32 @!p1 $0x1082;
	[sflag:s4] =	ssyncset.s32 $0xFFFFF086  }
0x25: {  	[simem:s6], [sflag:s4] =	dma.local [hbm:s3], $0xF7A  }
0x26: {  	[smem:$0x3F9B] =	sst s1;
	(tag) =	ssettag s2;
	_ =	strace s9  }
0x27: {  	s1 =	sld [smem:$0x3FAB]  }
0x28: {  	s2 =	sld [smem:$0x3FAC]  }
0x29: {  	s4 =	sld [smem:$0x3FAE]  }
0x2a: {  	p0 =	seq.s32 s5, $0x0;
	s5 =	sld [smem:$0x3FAF]  }
0x2b: {  	s6 =	sld [smem:$0x3FB0]  }
0x2c: {  	s7 =	sld [smem:$0x3FB1]  }
0x2d: {  	s3 =	simm.s32 $0x108;
	s8 =	sld [smem:$0x3FB2]  }
0x2e: {  	s3 =	simm.s32 @!p0 $0x1082;
	s9 =	sld [smem:$0x3FB3]  }
0x2f: {  	lr =	sadd.s32 s0, s3;
	s0 =	sld [smem:$0x3FAA]  }
0x30: {  	s3 =	sld [smem:$0x3FAD]  }
0x31: {  	[smem:$0x3FB6] =	sst s10  }
0x32: {  	s10 =	sld [smem:$0x3FB4];
	_ =	sdelay $0x3  }
0x33: {  	p0 =	seq.s32 s10, $0x1;
	s10 =	sld [smem:$0x3FB6];
	_ =	sdelay $0x3  }
0x34: {  	[smem:$0x3FB6] =	sst s10  }
0x35: {  	s10 =	sld [smem:$0x3FB5];
	_ =	sdelay $0x3  }
0x36: {  	p1 =	seq.s32 s10, $0x1;
	s10 =	sld [smem:$0x3FB6];
	_ =	sdelay $0x3  }
0x37: {  	[smem:$0x3FB6] =	sst s10  }
0x38: {  	s10 =	sld [smem:$0x3FB7]  }
0x39: {  	_ = 	snop;
	(pc) =	sbr.ind lr, $3  }
0x3a: {  	_ = 	snop  }
0x3b: {  	_ = 	snop  }
0x3c: {  	p2 =	seq.s32 s10, $0x1;
	s10 =	sld [smem:$0x3FB6]  }
0x3d: {  	_ =	shalt  }
0x3e: {  	_ =	shalt  }
0x3f: {  	_ =	shalt  }
0x40: {  	_ =	shalt  }
0x41: {  	_ =	shalt  }
0x42: {  	_ =	shalt  }
0x43: {  	_ =	shalt  }
0x44: {  	_ =	shalt  }
0x45: {  	_ =	shalt  }
0x46: {  	_ =	shalt  }
0x47: {  	_ =	shalt  }
0x48: {  	_ =	shalt  }
0x49: {  	_ =	shalt  }
0x4a: {  	_ =	shalt  }
0x4b: {  	_ =	shalt  }
0x4c: {  	_ =	shalt  }
0x4d: {  	_ =	shalt  }
0x4e: {  	_ =	shalt  }
0x4f: {  	_ =	shalt  }
0x50: {  	_ =	shalt  }
0x51: {  	_ =	shalt  }
0x52: {  	_ =	shalt  }
0x53: {  	_ =	shalt  }
0x54: {  	_ =	shalt  }
0x55: {  	_ =	shalt  }
0x56: {  	_ =	shalt  }
0x57: {  	_ =	shalt  }
0x58: {  	_ =	shalt  }
0x59: {  	_ =	shalt  }
0x5a: {  	_ =	shalt  }
0x5b: {  	_ =	shalt  }
0x5c: {  	_ =	shalt  }
0x5d: {  	_ =	shalt  }
0x5e: {  	_ =	shalt  }
0x5f: {  	_ =	shalt  }
0x60: {  	_ =	shalt  }
0x61: {  	_ =	shalt  }
0x62: {  	_ =	shalt  }
0x63: {  	_ =	shalt  }
0x64: {  	_ =	shalt  }
0x65: {  	_ =	shalt  }
0x66: {  	_ =	shalt  }
0x67: {  	_ =	shalt  }
0x68: {  	_ =	shalt  }
0x69: {  	_ =	shalt  }
0x6a: {  	_ =	shalt  }
0x6b: {  	_ =	shalt  }
0x6c: {  	_ =	shalt  }
0x6d: {  	_ =	shalt  }
0x6e: {  	_ =	shalt  }
0x6f: {  	_ =	shalt  }
0x70: {  	_ =	shalt  }
0x71: {  	_ =	shalt  }
0x72: {  	_ =	shalt  }
0x73: {  	_ =	shalt  }
0x74: {  	_ =	shalt  }
0x75: {  	_ =	shalt  }
0x76: {  	_ =	shalt  }
0x77: {  	_ =	shalt  }
0x78: {  	_ =	shalt  }
0x79: {  	_ =	shalt  }
0x7a: {  	_ =	shalt  }
0x7b: {  	_ =	shalt  }
0x7c: {  	_ =	shalt  }
0x7d: {  	_ =	shalt  }
0x7e: {  	_ =	shalt  }
0x7f: {  	_ =	shalt  }
0x80: {  	_ =	shalt  }
0x81: {  	_ =	shalt  }
0x82: {  	_ =	shalt  }
0x83: {  	_ =	shalt  }
0x84: {  	_ =	shalt  }
0x85: {  	_ =	shalt  }
0x86: {  	_ =	shalt  }
0x87: {  	_ =	shalt  }
.Lfunc_end0:
.L_simem_size_0:
called_computation_lowered:
.L_overlay_start_0:
0x88: {  	s2 =	sld [smem:$0x3FD9]  }
0x89: {  	s3 =	sld [smem:$0x3FFE];
	_ =	sdelay $0x1  }
0x8a: {  	s1 =	srdreg.scid  }
0x8b: {  	s0 =	sand.u32 $0x1, s1  }
0x8c: {  	s17 =	sshll.u32 s0, $0xA;
	s2 =	sadd.s32 s3, s2  }
0x8d: {  	s2 =	sadd.s32 s2, s17  }
0x8e: {  	[smem:$0x3FC2] =	sst s2  }
0x8f: {  	_ = 	snop  }
0x90: {  	s2 =	sld [smem:$0x3FC6];
	(tm) =	ssettm $0x1  }
0x91: {  	s18 =	sld [smem:$0x3FFB];
	_ =	sdelay $0x3  }
0x92: {  	_ =	strace s18  }
0x93: {  	s3 =	sld [smem:$0x3FFC];
	_ =	sdelay $0x3  }
0x94: {  	_ =	strace s3  }
0x95: {  	s3 =	sld [smem:$0x3FFD];
	_ =	sdelay $0x3  }
0x96: {  	_ =	strace s3  }
0x97: {  	_ =	strace $0x8FFFFFFF  }
0x98: {  	s19 =	sld [smem:$0x3FDB];
	_ =	sdelay $0x1  }
0x99: {  	s4 =	simm.s32 $_scs_section_size  }
0x9a: {  	s5 =	simm.s32 $_size__tile_overlayer_lowered;
	s6 =	simm.s32 $_tile_overlayer_lowered  }
0x9b: {  	s22 =	simm.s32 $0x1BFF;
	s21 =	sshll.u32 s6, $0x1;
	s3 =	sadd.s32 s4, s19  }
0x9c: {  	s7 =	simm.s32 $0x0;
	s20 =	sshll.u32 s5, $0x1;
	s5 =	sadd.s32 s21, s3  }
0x9d: {  	[timem:s7], [sflag:s22] =	dma.local [hbm:s5], s20  }
0x9e: {  	_ =	swait.ge [sflag:s22], s20  }
0x9f: {  	s4 =	ssub.s32 $0x0, s20;
	[sflag:s22] =	ssyncset.done $0x0  }
0xa0: {  	[sflag:s22] =	ssyncadd.s32 s4;
	_ =	sdelay $0x1  }
0xa1: {  	s23 =	simm.s32 $0x1B8B  }
0xa2: {  	_ =	swait.ge [sflag:s23], $0x1  }
0xa3: {  	[sflag:s23] =	ssyncset.done $0x0  }
0xa4: {  	s25 =	simm.s32 $0x1B8E;
	s24 =	sld [smem:$0x3FFE];
	[sflag:s23] =	ssyncadd.s32 $0xFFFFFFFF  }
0xa5: {  	s26 =	simm.s32 $execute0_lowered;
	[smem:$0x3FD2] =	sst s25  }
0xa6: {  	s5 =	sshll.u32 s26, $0x1;
	_ =	strace $0x80000046;
	[dreg:$0x1] =	wrdreg $0xFFFFFFFF  }
0xa7: {  	s28 =	simm.s32 $_size_execute0_lowered;
	s3 =	sadd.s32 s3, s5;
	[dreg:$0x0] =	wrdreg $0x0  }
0xa8: {  	s5 =	sshll.u32 s28, $0x1;
	[dreg:$0x2] =	wrdreg s3  }
0xa9: {  	[dreg:$0x3] =	wrdreg s5  }
0xaa: {  	[dreg:$0x4] =	wrdreg $0xC0  }
0xab: {  	_ =	task [dreg:s7], $0x5FFFF  }
0xac: {  	[dreg:$0x1] =	wrdreg $0xFFFFFFFF  }
0xad: {  	[dreg:$0x0] =	wrdreg $0x60  }
0xae: {  	[dreg:$0x2] =	wrdreg s24  }
0xaf: {  	[dreg:$0x3] =	wrdreg s2  }
0xb0: {  	[dreg:$0x4] =	wrdreg $0x9  }
0xb1: {  	_ =	task.clear_ibuf [dreg:s7], $0x5FFFF;
	_ =	strace $0x90000046  }
0xb2: {  	s29 =	simm.s32 $0x9;
	_ =	strace $0x80000048  }
0xb3: {  	_ =	swait.ge [sflag:s29], $0x1  }
0xb4: {  	[sflag:s29] =	ssyncadd.s32 $0xFFFFFFFF  }
0xb5: {  	_ =	strace $0x90000048  }
0xb6: {  	_ =	sfence  }
0xb7: {  	s30 =	sld [smem:$0x0];
	_ =	sdelay $0x2  }
0xb8: {  	s31 =	sshll.u32 s1, $0xD;
	s1 =	sshrl.u32 s1, $0x2  }
0xb9: {  	s3 =	sand.u32 $0x4000, s31;
	s1 =	sadd.s32 s1, s30  }
0xba: {  	s0 =	sor.u32 s3, s0;
	s1 =	sshll.u32 s1, $0x11  }
0xbb: {  	s0 =	sor.u32 s1, s0  }
0xbc: {  	s0 =	sadd.s32 $0x8F2B, s0  }
0xbd: {  	[sflag:s0] =	ssyncadd.remote.s32 $0x1  }
0xbe: {  	_ =	sfence.sel $0xFFFF  }
0xbf: {  	[dreg:$0x0] =	wrdreg $0xFFFFFFFF;
	(pc) =	sbr.abs _section_cstart, $3  }
0xc0: {  	[dreg:$0x1] =	wrdreg $0xFFFFFFFF  }
0xc1: {  	_ =	task.clear_ibuf [dreg:s7], $0x2FFFF;
	_ =	strace $0x9FFFFFFF  }
0xc2: {  	(tm) =	ssettm $0x7FFFFFFF  }
0xc3: {  	_ =	shalt  }
tec
execute0_lowered:
.L_overlay_start_1:
0x0: {  	(tag) =	ssettag $0x1  }
0x1: {  	s1 =	rddreg [dreg:$0x0]  }
0x2: {  	s2 =	rddreg [dreg:$0x1];
	s3 =	simm.s32 $0x0  }
0x3: {  	s0 =	srdreg.scid;
	s13 =	stileid.u32;
	s15 =	simm.s32 $0x2  }
0x4: {  	s16 =	simm.s32 $0x2000;
	s17 =	simm.s32 $0x4000;
	s18 =	simm.s32 $0x6000  }
0x5: {  	s19 =	simm.s32 $0x8000;
	s20 =	simm.s32 $0xA000;
	s21 =	simm.s32 $0xC000  }
0x6: {  	s22 =	simm.s32 $0xE000;
	s23 =	simm.s32 $0x10000;
	s24 =	simm.s32 $0x12000  }
0x7: {  	s25 =	simm.s32 $0x1;
	s26 =	simm.s32 $0x14080;
	s28 =	simm.s32 $0x0  }
0x8: {  	[smem:$0x7FF] =	sst s3;
	s5 =	sadd.s32 $0x6400, s1;
	s6 =	sadd.s32 $0x3200, s1  }
0x9: {  	s7 =	sadd.s32 $0xCCC00, s1;
	s8 =	sadd.s32 $0x194C00, s1;
	s0 =	sand.u32 $0x1, s0  }
0xa: {  	s4 =	sshll.u32 s13, $0x1;
	s9 =	sadd.s32 $0x9800, s1;
	s13 =	smul.u32 $0x64000, s13  }
0xb: {  	_ =	strace $0x80000047;
	s4 =	sor.u32 s0, s4;
	s10 =	ssub.s32 $0x2, s0  }
0xc: {  	s0 =	smul.u32 $0x32000, s0;
	s11 =	sshll.u32 s4, $0x4;
	s12 =	sshrl.u32 s10, $0x1  }
0xd: {  	s11 =	sadd.s32 s11, s1;
	s12 =	ssub.s32 s10, s12;
	s10 =	smul.u32 $0x32000, s4  }
0xe: {  	vm0 =	vmxor vm0, vm0;
	s4 =	sadd.s32 s0, s13;
	s11 =	sadd.s32 $0x9A00, s11;
	s12 =	smax.u32 s12, $0x1  }
.LBB2_1:
0xf: {  	s0 =	simm.s32 $0x14000  }
0x10: {  	[tilespmem:s0], [sflag:$0x2] =	stream.linear.gather [hbm4b:s9+s3], $0x80, $0x38;
	[tilespmem:$0x14100] =	vst v63  }
0x11: {  	_ =	swait.ge [sflag:s15], $0x80  }
0x12: {  	[sflag:s15] =	ssyncset.done $0x0  }
0x13: {  	[sflag:s15] =	ssyncadd.s32 $0xFFFFFF80  }
0x14: {  	v17 =	vld [tilespmem:$0x14000];
	_ =	sdelay $0x1  }
0x15: {  	v19 =	vld [tilespmem:$0x14010];
	_ =	sdelay $0x2  }
0x16: {  	v0 =	vbroadcast v17, $0x9;
	v1 =	vbroadcast v17, $0xC  }
0x17: {  	v2 =	vbroadcast v17, $0xF;
	v3 =	vbroadcast v17, $0xA  }
0x18: {  	v4 =	vbroadcast v17, $0xD;
	v5 =	vbroadcast v19, $0x0  }
0x19: {  	v6 =	vbroadcast v17, $0xB;
	v7 =	vbroadcast v17, $0xE  }
0x1a: {  	v8 =	vbroadcast v19, $0x1;
	v9 =	vbroadcast v17, $0x0  }
0x1b: {  	v10 =	vbroadcast v17, $0x3;
	v11 =	vbroadcast v17, $0x6  }
0x1c: {  	v12 =	vbroadcast v17, $0x1;
	v13 =	vbroadcast v17, $0x4  }
0x1d: {  	v14 =	vbroadcast v17, $0x7;
	v15 =	vbroadcast v17, $0x2  }
0x1e: {  	v16 =	vbroadcast v17, $0x5;
	v17 =	vbroadcast v17, $0x8  }
0x1f: {  	v20 =	vimm.f32 $0.0e+00;
	s13 =	smov.u32 s4;
	s30 =	simm.s32 $0x0;
	v18 =	vbroadcast v19, $0x3;
	v19 =	vbroadcast v19, $0x2  }
.LBB2_2:
0x20: {  	s0 =	sshll.u32 s30, $0xD  }
0x21: {  	s0 =	sadd.s32 s10, s0  }
0x22: {  	s0 =	sshrl.u32 s0, $0x3  }
0x23: {  	s29 =	simm.s32 $0x0;
	s14 =	sadd.s32 s7, s0  }
0x24: {  	[tilespmem:s29], [sflag:$0x2] =	stream.linear.gather [hbm4b:s14+s29], $0x2000, $0x38;
	[tilespmem:$0x14100] =	vst v63  }
0x25: {  	_ =	swait.ge [sflag:s15], $0x2000  }
0x26: {  	[sflag:s15] =	ssyncset.done $0x0  }
0x27: {  	s0 =	sadd.s32 s8, s0;
	[sflag:s15] =	ssyncadd.s32 $0xFFFFE000  }
0x28: {  	[tilespmem:s16], [sflag:$0x2] =	stream.linear.gather [hbm4b:s0+s29], $0x2000, $0x38;
	[tilespmem:$0x14100] =	vst v63  }
0x29: {  	_ =	swait.ge [sflag:s15], $0x2000  }
0x2a: {  	[sflag:s15] =	ssyncset.done $0x0  }
0x2b: {  	[sflag:s15] =	ssyncadd.s32 $0xFFFFE000  }
0x2c: {  	[tilespmem:s17], [sflag:$0x1] =	stream.indirect.gather [hbm4b:s5+s16], $0x1, s29, s16, $0xb8;
	[tilespmem:$0x14100] =	vst v63  }
0x2d: {  	_ = 	snop  }
0x2e: {  	[tilespmem:s18], [sflag:$0x1] =	stream.indirect.gather [hbm4b:s6+s16], $0x1, s29, s16, $0xb8;
	[tilespmem:$0x14100] =	vst v63  }
0x2f: {  	_ = 	snop  }
0x30: {  	[tilespmem:s19], [sflag:$0x1] =	stream.indirect.gather [hbm4b:s1+s16], $0x1, s29, s16, $0xb8;
	[tilespmem:$0x14100] =	vst v63  }
0x31: {  	_ = 	snop  }
0x32: {  	[tilespmem:s20], [sflag:$0x1] =	stream.indirect.gather [hbm4b:s2+s16], $0x1, s29, s16, $0xb8;
	[tilespmem:$0x14100] =	vst v63  }
0x33: {  	_ = 	snop  }
0x34: {  	[tilespmem:s21], [sflag:$0x1] =	stream.indirect.gather [hbm4b:s5+s16], $0x1, s16, s16, $0xb8;
	[tilespmem:$0x14100] =	vst v63  }
0x35: {  	_ = 	snop  }
0x36: {  	[tilespmem:s22], [sflag:$0x1] =	stream.indirect.gather [hbm4b:s6+s16], $0x1, s16, s16, $0xb8;
	[tilespmem:$0x14100] =	vst v63  }
0x37: {  	_ = 	snop  }
0x38: {  	[tilespmem:s23], [sflag:$0x1] =	stream.indirect.gather [hbm4b:s1+s16], $0x1, s16, s16, $0xb8;
	[tilespmem:$0x14100] =	vst v63  }
0x39: {  	_ = 	snop  }
0x3a: {  	[tilespmem:s24], [sflag:$0x1] =	stream.indirect.gather [hbm4b:s2+s16], $0x1, s16, s16, $0xb8;
	[tilespmem:$0x14100] =	vst v63  }
0x3b: {  	_ =	swait.ge [sflag:s25], $0x2000  }
0x3c: {  	[sflag:s25] =	ssyncset.done $0x0  }
0x3d: {  	[sflag:s25] =	ssyncadd.s32 $0xFFFFE000  }
0x3e: {  	_ =	swait.ge [sflag:s25], $0x2000  }
0x3f: {  	[sflag:s25] =	ssyncset.done $0x0  }
0x40: {  	[sflag:s25] =	ssyncadd.s32 $0xFFFFE000  }
0x41: {  	_ =	swait.ge [sflag:s25], $0x2000  }
0x42: {  	[sflag:s25] =	ssyncset.done $0x0  }
0x43: {  	[sflag:s25] =	ssyncadd.s32 $0xFFFFE000  }
0x44: {  	_ =	swait.ge [sflag:s25], $0x2000  }
0x45: {  	[sflag:s25] =	ssyncset.done $0x0  }
0x46: {  	[sflag:s25] =	ssyncadd.s32 $0xFFFFE000  }
0x47: {  	_ =	swait.ge [sflag:s25], $0x2000  }
0x48: {  	[sflag:s25] =	ssyncset.done $0x0  }
0x49: {  	[sflag:s25] =	ssyncadd.s32 $0xFFFFE000  }
0x4a: {  	_ =	swait.ge [sflag:s25], $0x2000  }
0x4b: {  	[sflag:s25] =	ssyncset.done $0x0  }
0x4c: {  	[sflag:s25] =	ssyncadd.s32 $0xFFFFE000  }
0x4d: {  	_ =	swait.ge [sflag:s25], $0x2000  }
0x4e: {  	[sflag:s25] =	ssyncset.done $0x0  }
0x4f: {  	[sflag:s25] =	ssyncadd.s32 $0xFFFFE000  }
0x50: {  	_ =	swait.ge [sflag:s25], $0x2000  }
0x51: {  	[sflag:s25] =	ssyncset.done $0x0  }
0x52: {  	s14 =	simm.s32 $0x0;
	[sflag:s25] =	ssyncadd.s32 $0xFFFFE000  }
0x53: {  	v21 =	vld [tilespmem:s14+$0x8000]  }
0x54: {  	v22 =	vld [tilespmem:s14+$0x4000]  }
0x55: {  	v23 =	vld [tilespmem:s14+$0x6000]  }
0x56: {  	v24 =	vld [tilespmem:s14+$0xC000]  }
0x57: {  	v25 =	vld [tilespmem:s14+$0xE000]  }
0x58: {  	v26 =	vld [tilespmem:s14+$0x10000];
	_ =	sdelay $0x2  }
0x59: {  	v22 =	vsub.f32 v22, v24  }
0x5a: {  	v23 =	vsub.f32 v23, v25  }
0x5b: {  	v21 =	vsub.f32 v21, v26;
	v24 =	vshrl.u32 v22, $0x10  }
0x5c: {  	v25 =	vshrl.u32 v23, $0x10;
	v24 =	vand.u32 $0x1, v24  }
0x5d: {  	v26 =	vshrl.u32 v21, $0x10;
	v25 =	vand.u32 $0x1, v25;
	v22 =	vadd.s32 v24, v22  }
0x5e: {  	v24 =	vand.u32 $0x1, v26;
	v23 =	vadd.s32 v25, v23;
	v22 =	vadd.s32 $0x7FFF, v22  }
0x5f: {  	v21 =	vadd.s32 v24, v21;
	v23 =	vadd.s32 $0x7FFF, v23;
	v22 =	vand.u32 $0xFFFF0000, v22  }
0x60: {  	v23 =	vand.u32 $0xFFFF0000, v23;
	v24 =	vmul.f32 v22, v6;
	v25 =	vmul.f32 v22, v0  }
0x61: {  	v21 =	vadd.s32 $0x7FFF, v21;
	v26 =	vmul.f32 v23, v7;
	v27 =	vmul.f32 v23, v1  }
0x62: {  	s31 =	simm.s32 $0x10;
	v21 =	vand.u32 $0xFFFF0000, v21;
	v22 =	vmul.f32 v22, v3;
	v23 =	vmul.f32 v23, v4  }
0x63: {  	v32 =	vld [tilespmem:s31+$0xE000];
	v29 =	vmul.f32 v21, v2;
	v25 =	vadd.f32 v27, v25  }
0x64: {  	v28 =	vmul.f32 v21, v8;
	v21 =	vmul.f32 v21, v5;
	v27 =	vld [tilespmem:s31+$0x8000];
	v22 =	vadd.f32 v23, v22  }
0x65: {  	v24 =	vadd.f32 v26, v24;
	v23 =	vld [tilespmem:s31+$0x10000];
	v25 =	vadd.f32 v29, v25  }
0x66: {  	v26 =	vld [tilespmem:s31+$0x4000];
	v21 =	vadd.f32 v21, v22  }
0x67: {  	v24 =	vadd.f32 v28, v24;
	v29 =	vld [tilespmem:s31+$0xC000];
	v28 =	vadd.f32 $5.000000000e-01, v25  }
0x68: {  	v22 =	vld [tilespmem:s31+$0x6000];
	v31 =	vadd.f32 $5.000000000e-01, v21  }
0x69: {  	v30 =	vadd.f32 $5.000000000e-01, v24;
	v33 =	vtrunc.f32 v28  }
0x6a: {  	v35 =	vtrunc.f32 v31;
	v33 =	vcvt.f32.s32 v33  }
0x6b: {  	v23 =	vsub.f32 v27, v23;
	v34 =	vtrunc.f32 v30;
	v35 =	vcvt.f32.s32 v35  }
0x6c: {  	v27 =	vcvt.f32.s32 v34;
	v26 =	vsub.f32 v26, v29;
	v29 =	vcvt.s32.f32 v33  }
0x6d: {  	v22 =	vsub.f32 v22, v32;
	v60 =	vcvt.s32.f32 v35  }
0x6e: {  	v61 =	vshrl.u32 v23, $0x10;
	v27 =	vcvt.s32.f32 v27;
	v63 =	vadd.f32 $-1.000000000e+00, v29  }
0x6f: {  	v62 =	vshrl.u32 v26, $0x10;
	v36 =	vadd.f32 $-1.000000000e+00, v60;
	vm1 =	vlt.f32 v28, v29  }
0x70: {  	v37 =	vadd.f32 $-1.000000000e+00, v27;
	vm2 =	vlt.f32 v31, v60;
	v28 =	vsel vm1, v63, v29  }
0x71: {  	vm3 =	vlt.f32 v30, v27;
	v29 =	vsel vm2, v36, v60;
	v25 =	vsub.f32 v25, v28  }
0x72: {  	v27 =	vsel vm3, v37, v27;
	v21 =	vsub.f32 v21, v29;
	v28 =	vshrl.u32 v22, $0x10  }
0x73: {  	v29 =	vand.u32 $0x1, v61;
	v24 =	vsub.f32 v24, v27;
	v30 =	vshrl.u32 v25, $0x10  }
0x74: {  	v27 =	vand.u32 $0x1, v62;
	v31 =	vshrl.u32 v21, $0x10;
	v30 =	vand.u32 $0x1, v30  }
0x75: {  	v28 =	vand.u32 $0x1, v28;
	v31 =	vand.u32 $0x1, v31;
	v25 =	vadd.s32 v30, v25  }
0x76: {  	v37 =	vshrl.u32 v24, $0x10;
	v21 =	vadd.s32 v31, v21;
	v25 =	vadd.s32 $0x7FFF, v25  }
0x77: {  	v30 =	vand.u32 $0x1, v37;
	v21 =	vadd.s32 $0x7FFF, v21;
	v25 =	vand.u32 $0xFFFF0000, v25  }
0x78: {  	v24 =	vadd.s32 v30, v24;
	v21 =	vand.u32 $0xFFFF0000, v21;
	v30 =	vmul.f32 v25, v9  }
0x79: {  	v24 =	vadd.s32 $0x7FFF, v24;
	v31 =	vmul.f32 v21, v10;
	v38 =	vmul.f32 v25, v12  }
0x7a: {  	v24 =	vand.u32 $0xFFFF0000, v24;
	v39 =	vmul.f32 v21, v13;
	v25 =	vmul.f32 v25, v15  }
0x7b: {  	v26 =	vadd.s32 v27, v26;
	v21 =	vmul.f32 v21, v16;
	v40 =	vmul.f32 v24, v11  }
0x7c: {  	v41 =	vmul.f32 v24, v14;
	v30 =	vadd.f32 v31, v30;
	v31 =	vadd.f32 v39, v38  }
0x7d: {  	v26 =	vadd.s32 $0x7FFF, v26;
	v22 =	vadd.s32 v28, v22;
	v21 =	vadd.f32 v21, v25  }
0x7e: {  	v24 =	vmul.f32 v24, v17;
	v27 =	vadd.f32 v30, v40;
	v25 =	vadd.f32 v31, v41  }
0x7f: {  	s0 =	simm.s32 $0x20;
	v23 =	vadd.s32 v29, v23;
	v26 =	vand.u32 $0xFFFF0000, v26;
	v22 =	vadd.s32 $0x7FFF, v22  }
0x80: {  	v45 =	vld [tilespmem:s0+$0x4000];
	v21 =	vadd.f32 v21, v24;
	v24 =	vmul.f32 v27, v27;
	v25 =	vmul.f32 v25, v25  }
0x81: {  	v23 =	vadd.s32 $0x7FFF, v23;
	v28 =	vld [tilespmem:s14+$0xA000];
	v22 =	vand.u32 $0xFFFF0000, v22;
	v29 =	vmul.f32 v26, v6  }
0x82: {  	v42 =	vmul.f32 v26, v0;
	v30 =	vld [tilespmem:s14+$0x12000];
	v21 =	vmul.f32 v21, v21;
	v24 =	vadd.f32 v25, v24  }
0x83: {  	v49 =	vld [tilespmem:s0+$0xC000];
	v23 =	vand.u32 $0xFFFF0000, v23;
	v26 =	vmul.f32 v26, v3;
	v43 =	vmul.f32 v22, v7  }
0x84: {  	v31 =	vld [tilespmem:s0+$0x8000];
	v27 =	vmul.f32 v23, v8;
	v25 =	vmul.f32 v23, v2;
	v44 =	vadd.f32 v24, v21  }
0x85: {  	v29 =	vadd.f32 v43, v29;
	v23 =	vmul.f32 v23, v5;
	v21 =	vld [tilespmem:s0+$0x10000];
	v24 =	vmul.f32 v22, v1  }
0x86: {  	v22 =	vmul.f32 v22, v4;
	v46 =	vshrl.u32 v44, $0x1;
	v47 =	vmul.f32 $5.000000000e-01, v44  }
0x87: {  	v28 =	vmul.f32 v30, v28;
	v24 =	vadd.f32 v24, v42;
	v48 =	vsub.s32 $0x5F3759DF, v46  }
0x88: {  	v30 =	vsub.f32 v45, v49;
	v22 =	vadd.f32 v22, v26;
	v26 =	vmul.f32 v48, v47  }
0x89: {  	v24 =	vadd.f32 v25, v24;
	v25 =	vadd.f32 v27, v29  }
0x8a: {  	v50 =	vld [tilespmem:s0+$0xE000];
	v22 =	vadd.f32 v23, v22;
	v27 =	vsub.f32 v31, v21;
	v21 =	vmul.f32 v48, v26  }
0x8b: {  	v38 =	vld [tilespmem:s0+$0x6000];
	v23 =	vadd.f32 $5.000000000e-01, v24;
	v26 =	vadd.f32 $5.000000000e-01, v25  }
0x8c: {  	p0 =	slt.u32 s13, $0x61A800;
	vm1 =	vmmov vm0;
	v29 =	vadd.f32 $5.000000000e-01, v22;
	v31 =	vsub.f32 $1.500000000e+00, v21  }
0x8d: {  	vm1 =	vmneg @p0 vm1;
	v51 =	vtrunc.f32 v23;
	v52 =	vtrunc.f32 v26  }
0x8e: {  	v55 =	vshrl.u32 v30, $0x10;
	v53 =	vtrunc.f32 v29;
	v31 =	vmul.f32 v48, v31  }
0x8f: {  	v54 =	vshrl.u32 v27, $0x10;
	v33 =	vcvt.f32.s32 v51;
	v35 =	vcvt.f32.s32 v52  }
0x90: {  	v21 =	vsub.f32 v38, v50;
	v36 =	vcvt.f32.s32 v53;
	v39 =	vmul.f32 v31, v47  }
0x91: {  	v32 =	vand.u32 $0x1, v54;
	v33 =	vcvt.s32.f32 v33;
	v35 =	vcvt.s32.f32 v35  }
0x92: {  	v40 =	vshrl.u32 v21, $0x10;
	v36 =	vcvt.s32.f32 v36;
	v39 =	vmul.f32 v39, v31  }
0x93: {  	v41 =	vadd.f32 $-1.000000000e+00, v33;
	vm2 =	vlt.f32 v26, v35;
	v26 =	vadd.f32 $-1.000000000e+00, v35  }
0x94: {  	vm3 =	vlt.f32 v23, v33;
	v23 =	vadd.f32 $-1.000000000e+00, v36;
	v39 =	vsub.f32 $1.500000000e+00, v39  }
0x95: {  	v33 =	vsel vm3, v41, v33;
	vm3 =	vlt.f32 v29, v36;
	v26 =	vsel vm2, v26, v35  }
0x96: {  	v23 =	vsel vm3, v23, v36;
	v25 =	vsub.f32 v25, v26;
	v26 =	vmul.f32 v39, v31  }
0x97: {  	vm2 =	vle.f32 v44, v19;
	v29 =	vsub.f32 v24, v33;
	v22 =	vsub.f32 v22, v23  }
0x98: {  	v24 =	vand.u32 $0x1, v40;
	v31 =	vand.u32 $0x1, v55;
	v56 =	vmul.f32 v26, v47  }
0x99: {  	v23 =	vshrl.u32 v25, $0x10;
	v57 =	vshrl.u32 v29, $0x10;
	v58 =	vshrl.u32 v22, $0x10  }
0x9a: {  	v23 =	vand.u32 $0x1, v23;
	v35 =	vand.u32 $0x1, v57;
	v33 =	vmul.f32 v56, v26  }
0x9b: {  	v36 =	vand.u32 $0x1, v58;
	v29 =	vadd.s32 v35, v29;
	v23 =	vadd.s32 v23, v25  }
0x9c: {  	v22 =	vadd.s32 v36, v22;
	v25 =	vadd.s32 $0x7FFF, v29;
	v29 =	vsub.f32 $1.500000000e+00, v33  }
0x9d: {  	v30 =	vadd.s32 v31, v30;
	v25 =	vand.u32 $0xFFFF0000, v25;
	v22 =	vadd.s32 $0x7FFF, v22  }
0x9e: {  	v22 =	vand.u32 $0xFFFF0000, v22;
	v60 =	vmul.f32 v25, v15;
	v26 =	vmul.f32 v29, v26  }
0x9f: {  	v23 =	vadd.s32 $0x7FFF, v23;
	v61 =	vmul.f32 v22, v16;
	v62 =	vmul.f32 v22, v10  }
0xa0: {  	v29 =	vadd.s32 v32, v27;
	v27 =	vmul.f32 v25, v9;
	v26 =	vsub.f32 v26, v18  }
0xa1: {  	v23 =	vand.u32 $0xFFFF0000, v23;
	v22 =	vmul.f32 v22, v13;
	v25 =	vmul.f32 v25, v12  }
0xa2: {  	v59 =	vmul.f32 v23, v11;
	v31 =	vadd.f32 v62, v27;
	v63 =	vmul.f32 v26, v28  }
0xa3: {  	vm1 =	vmand vm1, vm2;
	v27 =	vadd.f32 v22, v25;
	v28 =	vmul.f32 v23, v14  }
0xa4: {  	s29 =	smov.u32 s13;
	s14 =	simm.s32 $0xC0;
	v25 =	vadd.f32 v31, v59;
	v26 =	vadd.f32 v61, v60;
	v22 =	vnsel vm1, $0x0, v63  }
.LBB2_3:
0xa5: {  	p0 =	sne.s32 s14, $0x7FC0;
	v27 =	vadd.f32 v27, v28;
	v23 =	vmul.f32 v23, v17;
	v20 =	vadd.f32 v22, v20  }
0xa6: {  	v22 =	vadd.s32 $0x7FFF, v30;
	v21 =	vadd.s32 v24, v21;
	v24 =	vadd.s32 $0x7FFF, v29  }
0xa7: {  	v25 =	vmul.f32 v25, v25;
	v23 =	vadd.f32 v26, v23;
	v26 =	vmul.f32 v27, v27  }
0xa8: {  	v22 =	vand.u32 $0xFFFF0000, v22;
	v21 =	vadd.s32 $0x7FFF, v21;
	v24 =	vand.u32 $0xFFFF0000, v24  }
0xa9: {  	v27 =	vmul.f32 v24, v8;
	v28 =	vld [tilespmem:s31+$0xA000];
	v25 =	vadd.f32 v26, v25;
	v23 =	vmul.f32 v23, v23  }
0xaa: {  	v21 =	vand.u32 $0xFFFF0000, v21;
	v29 =	vmul.f32 v22, v6;
	v26 =	vmul.f32 v24, v2;
	v30 =	vld [tilespmem:s31+$0x12000];
	s31 =	smov.u32 s0;
	s0 =	sshra.s32 s14, $0x2  }
0xab: {  	v32 =	vmul.f32 v22, v0;
	v33 =	vmul.f32 v21, v7;
	v31 =	vld [tilespmem:s0+$0x8000];
	v25 =	vadd.f32 v25, v23  }
0xac: {  	v22 =	vmul.f32 v22, v3;
	v34 =	vmul.f32 v21, v1;
	v23 =	vld [tilespmem:s0+$0x10000]  }
0xad: {  	v21 =	vmul.f32 v21, v4;
	v35 =	vld [tilespmem:s0+$0x4000];
	v36 =	vshrl.u32 v25, $0x1;
	v37 =	vmul.f32 $5.000000000e-01, v25  }
0xae: {  	v32 =	vadd.f32 v34, v32;
	v29 =	vadd.f32 v33, v29;
	v38 =	vld [tilespmem:s0+$0x6000];
	v33 =	vsub.s32 $0x5F3759DF, v36  }
0xaf: {  	v21 =	vadd.f32 v21, v22;
	v22 =	vmul.f32 v24, v5;
	v34 =	vld [tilespmem:s0+$0xC000];
	v24 =	vmul.f32 v33, v37  }
0xb0: {  	s29 =	sadd.s32 $0x10, s29;
	vm1 =	vmmov vm0;
	v26 =	vadd.f32 v26, v32;
	v27 =	vadd.f32 v27, v29;
	v36 =	vld [tilespmem:s0+$0xE000]  }
0xb1: {  	p1 =	slt.u32 s29, $0x61A800;
	v22 =	vadd.f32 v22, v21;
	v29 =	vsub.f32 v31, v23;
	v21 =	vmul.f32 v33, v24  }
0xb2: {  	vm1 =	vmneg @p1 vm1;
	v23 =	vadd.f32 $5.000000000e-01, v26;
	v24 =	vadd.f32 $5.000000000e-01, v27  }
0xb3: {  	v28 =	vmul.f32 v30, v28;
	v31 =	vadd.f32 $5.000000000e-01, v22;
	v32 =	vsub.f32 $1.500000000e+00, v21  }
0xb4: {  	v30 =	vsub.f32 v35, v34;
	v34 =	vtrunc.f32 v23;
	v35 =	vtrunc.f32 v24  }
0xb5: {  	v21 =	vsub.f32 v38, v36;
	v36 =	vtrunc.f32 v31;
	v32 =	vmul.f32 v33, v32  }
0xb6: {  	v33 =	vshrl.u32 v29, $0x10;
	v34 =	vcvt.f32.s32 v34;
	v35 =	vcvt.f32.s32 v35  }
0xb7: {  	v38 =	vshrl.u32 v30, $0x10;
	v36 =	vcvt.f32.s32 v36;
	v39 =	vmul.f32 v32, v37  }
0xb8: {  	v40 =	vshrl.u32 v21, $0x10;
	v34 =	vcvt.s32.f32 v34;
	v35 =	vcvt.s32.f32 v35  }
0xb9: {  	v33 =	vand.u32 $0x1, v33;
	v36 =	vcvt.s32.f32 v36;
	v39 =	vmul.f32 v39, v32  }
0xba: {  	v41 =	vadd.f32 $-1.000000000e+00, v34;
	vm2 =	vlt.f32 v24, v35;
	v24 =	vadd.f32 $-1.000000000e+00, v35  }
0xbb: {  	vm3 =	vlt.f32 v23, v34;
	v23 =	vadd.f32 $-1.000000000e+00, v36;
	v39 =	vsub.f32 $1.500000000e+00, v39  }
0xbc: {  	v34 =	vsel vm3, v41, v34;
	vm3 =	vlt.f32 v31, v36;
	v24 =	vsel vm2, v24, v35  }
0xbd: {  	v23 =	vsel vm3, v23, v36;
	v27 =	vsub.f32 v27, v24;
	v31 =	vmul.f32 v39, v32  }
0xbe: {  	v26 =	vsub.f32 v26, v34;
	v32 =	vand.u32 $0x1, v38;
	v22 =	vsub.f32 v22, v23  }
0xbf: {  	v24 =	vand.u32 $0x1, v40;
	v23 =	vshrl.u32 v27, $0x10;
	v34 =	vmul.f32 v31, v37  }
0xc0: {  	v35 =	vshrl.u32 v26, $0x10;
	v36 =	vshrl.u32 v22, $0x10;
	v23 =	vand.u32 $0x1, v23  }
0xc1: {  	v35 =	vand.u32 $0x1, v35;
	v36 =	vand.u32 $0x1, v36;
	v34 =	vmul.f32 v34, v31  }
0xc2: {  	v26 =	vadd.s32 v35, v26;
	v23 =	vadd.s32 v23, v27;
	v22 =	vadd.s32 v36, v22  }
0xc3: {  	v26 =	vadd.s32 $0x7FFF, v26;
	v23 =	vadd.s32 $0x7FFF, v23;
	v27 =	vsub.f32 $1.500000000e+00, v34  }
0xc4: {  	v26 =	vand.u32 $0xFFFF0000, v26;
	v22 =	vadd.s32 $0x7FFF, v22;
	v23 =	vand.u32 $0xFFFF0000, v23  }
0xc5: {  	v22 =	vand.u32 $0xFFFF0000, v22;
	v34 =	vmul.f32 v23, v11;
	v27 =	vmul.f32 v27, v31  }
0xc6: {  	v29 =	vadd.s32 v33, v29;
	v33 =	vmul.f32 v22, v16;
	v31 =	vmul.f32 v26, v15  }
.Ltmp0:
0xc7: {  	v35 =	vmul.f32 v26, v9;
	v36 =	vmul.f32 v22, v10;
	v27 =	vsub.f32 v27, v18;
	(pc) =	sbr.rel @p0 .LBB2_3-.Ltmp0, $4  }
0xc8: {  	v30 =	vadd.s32 v32, v30;
	v22 =	vmul.f32 v22, v13;
	v26 =	vmul.f32 v26, v12  }
0xc9: {  	vm2 =	vle.f32 v25, v19;
	v32 =	vadd.f32 v36, v35;
	v35 =	vmul.f32 v27, v28  }
0xca: {  	vm1 =	vmand vm1, vm2;
	v27 =	vadd.f32 v22, v26;
	v28 =	vmul.f32 v23, v14  }
0xcb: {  	s14 =	sadd.s32 $0x40, s14;
	v25 =	vadd.f32 v32, v34;
	v26 =	vadd.f32 v33, v31;
	v22 =	vnsel vm1, $0x0, v35  }
0xcc: {  	v30 =	vadd.s32 $0x7FFF, v30;
	v21 =	vadd.s32 v24, v21  }
0xcd: {  	v53 =	vand.u32 $0xFFFF0000, v30;
	v21 =	vadd.s32 $0x7FFF, v21  }
0xce: {  	v21 =	vand.u32 $0xFFFF0000, v21;
	v31 =	vmul.f32 v53, v0  }
0xcf: {  	v29 =	vadd.s32 $0x7FFF, v29;
	v24 =	vmul.f32 v53, v3;
	v33 =	vmul.f32 v21, v1  }
0xd0: {  	v29 =	vand.u32 $0xFFFF0000, v29;
	v32 =	vmul.f32 v21, v7;
	v21 =	vmul.f32 v21, v4  }
0xd1: {  	v35 =	vmul.f32 v29, v2;
	v31 =	vadd.f32 v33, v31  }
0xd2: {  	v30 =	vmul.f32 v53, v6;
	v54 =	vmul.f32 v29, v5;
	v21 =	vadd.f32 v21, v24  }
0xd3: {  	v55 =	vadd.f32 v35, v31  }
0xd4: {  	v34 =	vmul.f32 v29, v8;
	v30 =	vadd.f32 v32, v30;
	v21 =	vadd.f32 v54, v21  }
0xd5: {  	v56 =	vadd.f32 $5.000000000e-01, v55  }
0xd6: {  	v30 =	vadd.f32 v34, v30;
	v58 =	vadd.f32 $5.000000000e-01, v21  }
0xd7: {  	v59 =	vtrunc.f32 v56  }
0xd8: {  	v57 =	vadd.f32 $5.000000000e-01, v30;
	v61 =	vtrunc.f32 v58;
	v33 =	vcvt.f32.s32 v59  }
0xd9: {  	v35 =	vcvt.f32.s32 v61  }
0xda: {  	v60 =	vtrunc.f32 v57;
	v33 =	vcvt.s32.f32 v33  }
0xdb: {  	v34 =	vcvt.f32.s32 v60;
	v35 =	vcvt.s32.f32 v35  }
0xdc: {  	v27 =	vadd.f32 v27, v28;
	v36 =	vadd.f32 $-1.000000000e+00, v33  }
0xdd: {  	v34 =	vcvt.s32.f32 v34;
	v37 =	vadd.f32 $-1.000000000e+00, v35;
	vm1 =	vlt.f32 v56, v33  }
0xde: {  	v23 =	vmul.f32 v23, v17;
	vm2 =	vlt.f32 v58, v35;
	v24 =	vsel vm1, v36, v33  }
0xdf: {  	v62 =	vadd.f32 $-1.000000000e+00, v34;
	v63 =	vsel vm2, v37, v35;
	v24 =	vsub.f32 v55, v24  }
0xe0: {  	v25 =	vmul.f32 v25, v25;
	vm1 =	vlt.f32 v57, v34;
	v21 =	vsub.f32 v21, v63  }
0xe1: {  	v23 =	vadd.f32 v26, v23;
	v35 =	vsel vm1, v62, v34;
	v29 =	vshrl.u32 v24, $0x10  }
0xe2: {  	v28 =	vsub.f32 v30, v35;
	v36 =	vshrl.u32 v21, $0x10;
	v37 =	vand.u32 $0x1, v29  }
0xe3: {  	v27 =	vmul.f32 v27, v27;
	v38 =	vand.u32 $0x1, v36;
	v24 =	vadd.s32 v37, v24  }
0xe4: {  	v39 =	vshrl.u32 v28, $0x10;
	v21 =	vadd.s32 v38, v21;
	v24 =	vadd.s32 $0x7FFF, v24  }
0xe5: {  	v40 =	vand.u32 $0x1, v39;
	v21 =	vadd.s32 $0x7FFF, v21;
	v24 =	vand.u32 $0xFFFF0000, v24  }
0xe6: {  	v26 =	vadd.s32 v40, v28;
	v21 =	vand.u32 $0xFFFF0000, v21;
	v41 =	vmul.f32 v24, v9  }
0xe7: {  	v26 =	vadd.s32 $0x7FFF, v26;
	v42 =	vmul.f32 v21, v10;
	v43 =	vmul.f32 v24, v12  }
0xe8: {  	v26 =	vand.u32 $0xFFFF0000, v26;
	v44 =	vmul.f32 v21, v13;
	v24 =	vmul.f32 v24, v15  }
0xe9: {  	v21 =	vmul.f32 v21, v16;
	v45 =	vmul.f32 v26, v11  }
0xea: {  	v47 =	vmul.f32 v26, v14;
	v28 =	vadd.f32 v42, v41;
	v46 =	vadd.f32 v44, v43  }
0xeb: {  	v25 =	vadd.f32 v27, v25;
	v23 =	vmul.f32 v23, v23;
	v21 =	vadd.f32 v21, v24  }
0xec: {  	v26 =	vmul.f32 v26, v17;
	v28 =	vadd.f32 v28, v45;
	v48 =	vadd.f32 v46, v47  }
0xed: {  	v23 =	vadd.f32 v25, v23  }
0xee: {  	v21 =	vadd.f32 v21, v26;
	v49 =	vmul.f32 v28, v28;
	v24 =	vmul.f32 v48, v48  }
0xef: {  	v25 =	vshrl.u32 v23, $0x1  }
0xf0: {  	v50 =	vmul.f32 $5.000000000e-01, v23;
	v21 =	vmul.f32 v21, v21;
	v24 =	vadd.f32 v24, v49  }
0xf1: {  	v25 =	vsub.s32 $0x5F3759DF, v25  }
0xf2: {  	v51 =	vmul.f32 v25, v50;
	v21 =	vadd.f32 v24, v21;
	_ =	sdelay $0x1  }
0xf3: {  	v24 =	vmul.f32 v25, v51;
	v52 =	vshrl.u32 v21, $0x1;
	v53 =	vmul.f32 $5.000000000e-01, v21  }
0xf4: {  	v27 =	vsub.s32 $0x5F3759DF, v52  }
0xf5: {  	v24 =	vsub.f32 $1.500000000e+00, v24;
	v54 =	vmul.f32 v27, v53;
	_ =	sdelay $0x1  }
0xf6: {  	v24 =	vmul.f32 v25, v24;
	v29 =	vmul.f32 v27, v54;
	_ =	sdelay $0x1  }
0xf7: {  	v56 =	vmul.f32 v24, v50;
	v55 =	vsub.f32 $1.500000000e+00, v29;
	_ =	sdelay $0x1  }
0xf8: {  	v57 =	vmul.f32 v56, v24;
	v25 =	vmul.f32 v27, v55;
	_ =	sdelay $0x1  }
0xf9: {  	v27 =	vsub.f32 $1.500000000e+00, v57;
	v58 =	vmul.f32 v25, v53;
	_ =	sdelay $0x1  }
0xfa: {  	v24 =	vmul.f32 v27, v24;
	v29 =	vmul.f32 v58, v25;
	_ =	sdelay $0x1  }
0xfb: {  	v26 =	vmul.f32 v24, v50;
	v59 =	vsub.f32 $1.500000000e+00, v29;
	_ =	sdelay $0x1  }
0xfc: {  	v60 =	vld [tilespmem:s31+$0xA000];
	v26 =	vmul.f32 v26, v24;
	v25 =	vmul.f32 v59, v25  }
0xfd: {  	v61 =	vld [tilespmem:s31+$0x12000]  }
0xfe: {  	v26 =	vsub.f32 $1.500000000e+00, v26;
	v28 =	vmul.f32 v25, v53  }
0xff: {  	v62 =	vld [tilespmem:s0+$0xA000]  }
0x100: {  	v63 =	vld [tilespmem:s0+$0x12000];
	v24 =	vmul.f32 v26, v24;
	v28 =	vmul.f32 v28, v25;
	_ =	sdelay $0x1  }
0x101: {  	s31 =	sadd.s32 $0x10, s29;
	v27 =	vmul.f32 v61, v60;
	v24 =	vsub.f32 v24, v18;
	v28 =	vsub.f32 $1.500000000e+00, v28  }
0x102: {  	p0 =	slt.u32 s31, $0x61A800;
	vm2 =	vle.f32 v23, v19;
	vm1 =	vmmov vm0  }
0x103: {  	vm1 =	vmneg @p0 vm1;
	v24 =	vmul.f32 v24, v27;
	v25 =	vmul.f32 v28, v25  }
0x104: {  	v20 =	vadd.f32 v22, v20;
	s0 =	sadd.s32 $0x10, s31;
	vm1 =	vmand vm1, vm2;
	v23 =	vmul.f32 v63, v62  }
0x105: {  	s30 =	sadd.s32 $0x1, s30;
	p0 =	slt.u32 s0, $0x61A800;
	v22 =	vnsel vm1, $0x0, v24;
	vm1 =	vmmov vm0;
	v25 =	vsub.f32 v25, v18  }
0x106: {  	vm1 =	vmneg @p0 vm1;
	p0 =	sne.s32 s30, $0x19  }
.Ltmp1:
0x107: {  	vm2 =	vle.f32 v21, v19;
	v23 =	vmul.f32 v25, v23;
	(pc) =	sbr.rel @p0 .LBB2_2-.Ltmp1, $4  }
0x108: {  	v20 =	vadd.f32 v22, v20;
	vm1 =	vmand vm1, vm2  }
0x109: {  	v21 =	vnsel vm1, $0x0, v23  }
0x10a: {  	v20 =	vadd.f32 v21, v20  }
0x10b: {  	s13 =	sadd.s32 $0x2000, s13  }
0x10c: {  	s28 =	sadd.s32 $0x1, s28  }
0x10d: {  	p0 =	sne.s32 s28, s12  }
.Ltmp2:
0x10e: {  	[tilespmem:$0x14080] =	vst v20;
	(pc) =	sbr.rel @p0 .LBB2_1-.Ltmp2, $4  }
0x10f: {  	[hbm4b:s11+s3] =	stream.linear.scatter [tilespmem:s26], [sflag:$0x2], $0x80, $0x38;
	[tilespmem:$0x14100] =	vst v63  }
0x110: {  	_ =	swait.ge [sflag:s15], $0x80  }
0x111: {  	[sflag:s15] =	ssyncset.done $0x0  }
0x112: {  	[sflag:s15] =	ssyncadd.s32 $0xFFFFFF80  }
0x113: {  	_ =	sfence.sel $0x180000  }
0x114: {  	[bflag:$0x0] =	sbarrier.arrive $0xFFFF  }
0x115: {  	_ =	strace $0x90000047  }
0x116: {  	s0 =	stileid.u32;
	[bflag:$0x2] =	sbarrier.arrive $0xFFFF  }
0x117: {  	p0 =	sne.s32 s0, $0x0;
	s0 =	rddreg [dreg:$0x2]  }
0x118: {  	s0 =	sadd.s32 @!p0 $0x100000, s0  }
0x119: {  	[sflag:s0] =	ssyncadd.tile.s32 @!p0 $0x1;
	_ =	shalt  }
.Lfunc_end2:
_tile_overlayer_lowered:
.L_overlay_start_2:
0x11a: {  	(tag) =	ssettag $0x2  }
0x11b: {  	s0 =	rddreg [dreg:$0x0];
	s2 =	stileid.u32  }
0x11c: {  	s1 =	rddreg [dreg:$0x1];
	p0 =	sne.s32 s2, $0x0  }
0x11d: {  	s3 =	rddreg [dreg:$0x2];
	[bflag:$0x3] =	sbarrier.arrive $0xFFFF;
	s2 =	simm.s32 @!p0 $0x1C02  }
0x11e: {  	[timem:s3], [sflag:s2] =	dma.local @!p0 [hbm:s0], s1  }
0x11f: {  	s0 =	simm.s32 @!p0 $0x2  }
0x120: {  	_ =	swait.ge @!p0 [sflag:s0], s1  }
0x121: {  	s1 =	ssub.s32 @!p0 $0x0, s1;
	[sflag:s0] =	ssyncset.done @!p0 $0x0  }
0x122: {  	[sflag:s0] =	ssyncadd.s32 @!p0 s1  }
0x123: {  	[bflag:$0x3] =	sbarrier.arrive $0xFFFF  }
0x124: {  	_ =	shalt  }

</sc_bundles>
